<compile_context>
chip_gen: v7x
topology: tpu7x:2x2x1
jax: 0.10.2.dev20260603
libtpu: 0.0.44.dev20260713+nightly
codegen_flags: <defaults>
</compile_context>

<pallas_src>
import functools

import jax
import jax.numpy as jnp
from jax import lax
from jax.experimental import pallas as pl
from jax.experimental.pallas import tpu as pltpu
from jax.experimental.pallas import tpu_sc as plsc

N = 10000
E = 100000
IN = 128
OUT = 128
R = 3

NW = 32
LCH = 64
CH = 50
CHP = 56
EPAD = NW * CH * LCH
RPT = 640
NP = 16 * RPT
BN = 1024
PG = 3
LS = 1
DB = PG + LS


def _sc_aggregate(x, srcm, dstm, zrows):
    mesh = plsc.VectorSubcoreMesh(core_axis_name="c", subcore_axis_name="s")

    @functools.partial(
        pl.kernel,
        mesh=mesh,
        out_type=jax.ShapeDtypeStruct((2 * R * NP, IN), jnp.float32),
        scratch_types=[
            pltpu.VMEM((CHP, LCH), jnp.int32),
            pltpu.VMEM((CHP, LCH), jnp.int32),
            pltpu.VMEM((DB, LCH, IN), jnp.float32),
            pltpu.VMEM_SHARED((NP, IN), jnp.float32),
            pltpu.SemaphoreType.DMA,
            pltpu.SemaphoreType.DMA,
        ],
    )
    def k(x_hbm, srcm_hbm, dstm_hbm, z_hbm, p_hbm,
          sidx_v, didx_v, rows_v, acc_sh, gsem, ssem):
        cid = lax.axis_index("c")
        sid = lax.axis_index("s")
        wid = sid * 2 + cid
        row0 = sid * RPT
        for r in range(R):
            pltpu.sync_copy(srcm_hbm.at[r, pl.ds(wid * CHP, CHP)], sidx_v)
            pltpu.sync_copy(dstm_hbm.at[r, pl.ds(wid * CHP, CHP)], didx_v)
            pltpu.sync_copy(z_hbm, acc_sh.at[pl.ds(row0, RPT)])
            plsc.subcore_barrier()

            for c in range(PG):
                pltpu.async_copy(x_hbm.at[sidx_v.at[c]], rows_v.at[c], gsem)

            def chunk(j, carry):
                b = lax.rem(j, DB)
                pltpu.make_async_copy(
                    x_hbm.at[sidx_v.at[0]], rows_v.at[b], gsem).wait()
                pltpu.async_copy(
                    rows_v.at[b], acc_sh.at[didx_v.at[j]], ssem, add=True)

                @pl.when(j >= LS)
                def _():
                    pltpu.make_async_copy(
                        rows_v.at[b], acc_sh.at[didx_v.at[0]], ssem).wait()

                @pl.when(j + PG < CH)
                def _():
                    bn = lax.rem(j + PG, DB)
                    pltpu.async_copy(
                        x_hbm.at[sidx_v.at[j + PG]], rows_v.at[bn], gsem)

                return carry

            lax.fori_loop(0, CH, chunk, 0)
            for _ in range(LS):
                pltpu.make_async_copy(
                    rows_v.at[0], acc_sh.at[didx_v.at[0]], ssem).wait()
            plsc.subcore_barrier()
            base = (cid * R + r) * NP + row0
            pltpu.sync_copy(acc_sh.at[pl.ds(row0, RPT)],
                            p_hbm.at[pl.ds(base, RPT)])

    return k(x, srcm, dstm, zrows)


def _tc_matmul(p, w, btile):

    def body(p_ref, w_ref, b_ref, o_ref):
        acc = jnp.zeros((BN, OUT), jnp.float32) + b_ref[0]
        for j in range(2 * R):
            acc = acc + jnp.dot(p_ref[j], w_ref[j % R],
                                preferred_element_type=jnp.float32)
        o_ref[...] = acc

    return pl.pallas_call(
        body,
        grid=(NP // BN,),
        in_specs=[
            pl.BlockSpec((2 * R, BN, IN), lambda i: (0, i, 0)),
            pl.BlockSpec((R, IN, OUT), lambda i: (0, 0, 0)),
            pl.BlockSpec((8, OUT), lambda i: (0, 0)),
        ],
        out_specs=pl.BlockSpec((BN, OUT), lambda i: (i, 0)),
        out_shape=jax.ShapeDtypeStruct((NP, OUT), jnp.float32),
    )(p, w, btile)


def kernel(x, edge_index_r0, edge_index_r1, edge_index_r2, weight, h_bias):
    pad = EPAD - E
    srcs, dsts = [], []
    for ei in (edge_index_r0, edge_index_r1, edge_index_r2):
        srcs.append(jnp.concatenate([ei[0], jnp.zeros((pad,), jnp.int32)]))
        dsts.append(jnp.concatenate([ei[1], jnp.full((pad,), N, jnp.int32)]))
    def _layout(cols):
        m = jnp.stack(cols).reshape(R, NW, CH, LCH)
        m = jnp.pad(m, ((0, 0), (0, 0), (0, CHP - CH), (0, 0)))
        return m.reshape(R, NW * CHP, LCH)

    srcm = _layout(srcs)
    dstm = _layout(dsts)
    zrows = jnp.zeros((RPT, IN), jnp.float32)
    p = _sc_aggregate(x, srcm, dstm, zrows).reshape(2 * R, NP, IN)
    btile = jnp.tile(h_bias[None, :], (8, 1))
    out = _tc_matmul(p, weight, btile)
    return out[:N]

# --- scband reference (transcript-rebuilt; emitter-appended) ---
"""Pipeline reference for scband-rel-graph-conv-layer-hetero-api-1331439862165 (READ-ONLY COPY).

The authoritative reference and input builder live on the scoring server;
editing this copy changes nothing except your own understanding.
"""

import jax, jax.numpy as jnp
import numpy as np

N, E, IN, OUT, R = 10000, 100000, 128, 128, 3

def setup_inputs(seed: int = 0):
    key = jax.random.key(seed)
    k1, k2, k3, k4, k5 = jax.random.split(key, 5)
    x = jax.random.normal(k1, (N, IN), dtype=jnp.float32)
    edge_index_r0 = jax.random.randint(k2, (2, E), 0, N, dtype=jnp.int32)
    edge_index_r1 = jax.random.randint(k3, (2, E), 0, N, dtype=jnp.int32)
    edge_index_r2 = jax.random.randint(k4, (2, E), 0, N, dtype=jnp.int32)
    # xavier_uniform with relu gain, per-relation weight [R, IN, OUT]
    gain = np.sqrt(2.0)
    bound = gain * np.sqrt(6.0 / (IN + OUT))
    weight = jax.random.uniform(k5, (R, IN, OUT), minval=-bound, maxval=bound, dtype=jnp.float32)
    h_bias = jnp.zeros((OUT,), dtype=jnp.float32)
    return {"x": x, "edge_index_r0": edge_index_r0, "edge_index_r1": edge_index_r1, "edge_index_r2": edge_index_r2, "weight": weight, "h_bias": h_bias}

def reference(x, edge_index_r0, edge_index_r1, edge_index_r2, weight, h_bias):
    # Faithful translation of RelGraphConvLayerHeteroAPI.forward (single node type,
    # 3 relations, no basis decomposition since num_bases == len(rel_names)):
    # per relation: gather src features (copy_u), per-edge matmul with relation
    # weight (h*w_r), scatter-sum messages to dst (update_all sum), then bias.
    # activation=None, self_loop=False, dropout eval-mode identity.
    out = jnp.zeros((x.shape[0], weight.shape[2]), dtype=x.dtype)
    edges = (edge_index_r0, edge_index_r1, edge_index_r2)
    for i in range(len(edges)):
        src = edges[i][0]
        dst = edges[i][1]
        m = jnp.take(x, src, axis=0)           # copy_u: gather [E, IN]
        hwr = jnp.matmul(m, weight[i])          # per-edge transform [E, OUT]
        out = out.at[dst].add(hwr)              # fn.sum scatter-add
    out = out + h_bias
    return out

if __name__ == "__main__":
    import jax
    _d = setup_inputs()
    print(jax.jit(kernel)(*tuple(_d.values())))

</pallas_src>

<mosaic_0001>
#map = affine_map<(d0, d1) -> (0, 0)>
#map1 = affine_map<(d0, d1) -> (0, 0, 0)>
module attributes {stable_mosaic.version = 14 : i64} {
  func.func @k(%arg0: i32, %arg1: i32, %arg2: memref<10000x128xf32, #tpu.memory_space<hbm>>, %arg3: memref<3x1792x64xi32, #tpu.memory_space<hbm>>, %arg4: memref<3x1792x64xi32, #tpu.memory_space<hbm>>, %arg5: memref<640x128xf32, #tpu.memory_space<hbm>>, %arg6: memref<61440x128xf32, #tpu.memory_space<hbm>>, %arg7: memref<56x64xi32, #tpu.memory_space<vmem>>, %arg8: memref<56x64xi32, #tpu.memory_space<vmem>>, %arg9: memref<4x64x128xf32, #tpu.memory_space<vmem>>, %arg10: memref<10240x128xf32, #tpu.memory_space<vmem_shared>>, %arg11: memref<!tpu.dma_semaphore, #tpu.memory_space<semaphore_mem>>, %arg12: memref<!tpu.dma_semaphore, #tpu.memory_space<semaphore_mem>>) attributes {dimension_semantics = [#tpu.dimension_semantics<core_parallel>, #tpu.dimension_semantics<subcore_parallel>], iteration_bounds = array<i64: 2, 16>, scalar_prefetch = 0 : i64, scratch_operands = 6 : i64, tpu.core_type = #tpu.core_type<sc_vector_subcore>, window_params = [{transform_indices = #map}, {transform_indices = #map1}, {transform_indices = #map1}, {transform_indices = #map}, {transform_indices = #map}]} {
    %mul3A = arith.constant 2 : i32
    %mul3A_0 = arith.muli %arg1, %mul3A : i32
    %add3A = arith.addi %mul3A_0, %arg0 : i32
    %mul3A_1 = arith.constant 640 : i32
    %mul3A_2 = arith.muli %arg1, %mul3A_1 : i32
    %mul3A_3 = arith.constant 56 : i32
    %mul3A_4 = arith.muli %add3A, %mul3A_3 : i32
    %run_scoped3A = arith.constant 0 : i32
    "tpu.region"() ({
      %run_scoped3A_205 = tpu.sem_alloc : memref<!tpu.dma_semaphore, #tpu.memory_space<semaphore_mem>>
      %dma_start3A_206 = arith.constant 0 : i32
      %dma_start3A_207 = tpu.memref_slice %arg3[%run_scoped3A, %mul3A_4, %dma_start3A_206] : memref<3x1792x64xi32, #tpu.memory_space<hbm>> -> memref<1x56x64xi32, #tpu.memory_space<hbm>>
      %dma_start3A_208 = tpu.memref_squeeze %dma_start3A_207 : memref<1x56x64xi32, #tpu.memory_space<hbm>> -> memref<56x64xi32, #tpu.memory_space<hbm>>
      %dma_start3A_209 = arith.constant 0 : i32
      %dma_start3A_210 = tpu.memref_slice %arg3[%run_scoped3A, %mul3A_4, %dma_start3A_209] : memref<3x1792x64xi32, #tpu.memory_space<hbm>> -> memref<1x56x64xi32, #tpu.memory_space<hbm>>
      %dma_start3A_211 = tpu.memref_squeeze %dma_start3A_210 : memref<1x56x64xi32, #tpu.memory_space<hbm>> -> memref<56x64xi32, #tpu.memory_space<hbm>>
      tpu.enqueue_dma source(%dma_start3A_211 : memref<56x64xi32, #tpu.memory_space<hbm>>) target(%arg7 : memref<56x64xi32, #tpu.memory_space<vmem>>) target_semaphore(%run_scoped3A_205 : memref<!tpu.dma_semaphore, #tpu.memory_space<semaphore_mem>>)
      %dma_wait3A_212 = arith.constant 0 : i32
      %dma_wait3A_213 = tpu.memref_slice %arg3[%run_scoped3A, %mul3A_4, %dma_wait3A_212] : memref<3x1792x64xi32, #tpu.memory_space<hbm>> -> memref<1x56x64xi32, #tpu.memory_space<hbm>>
      %dma_wait3A_214 = tpu.memref_squeeze %dma_wait3A_213 : memref<1x56x64xi32, #tpu.memory_space<hbm>> -> memref<56x64xi32, #tpu.memory_space<hbm>>
      %dma_wait3A_215 = arith.constant 0 : i32
      %dma_wait3A_216 = tpu.memref_slice %arg3[%run_scoped3A, %mul3A_4, %dma_wait3A_215] : memref<3x1792x64xi32, #tpu.memory_space<hbm>> -> memref<1x56x64xi32, #tpu.memory_space<hbm>>
      %dma_wait3A_217 = tpu.memref_squeeze %dma_wait3A_216 : memref<1x56x64xi32, #tpu.memory_space<hbm>> -> memref<56x64xi32, #tpu.memory_space<hbm>>
      tpu.wait_dma2 semaphore(%run_scoped3A_205 : memref<!tpu.dma_semaphore, #tpu.memory_space<semaphore_mem>>) src(%dma_wait3A_217 : memref<56x64xi32, #tpu.memory_space<hbm>>) dst(%arg7 : memref<56x64xi32, #tpu.memory_space<vmem>>)
      tpu.yield
    }) : () -> ()
    %mul3A_5 = arith.constant 56 : i32
    %mul3A_6 = arith.muli %add3A, %mul3A_5 : i32
    %run_scoped3A_7 = arith.constant 0 : i32
    "tpu.region"() ({
      %run_scoped3A_205 = tpu.sem_alloc : memref<!tpu.dma_semaphore, #tpu.memory_space<semaphore_mem>>
      %dma_start3A_206 = arith.constant 0 : i32
      %dma_start3A_207 = tpu.memref_slice %arg4[%run_scoped3A_7, %mul3A_6, %dma_start3A_206] : memref<3x1792x64xi32, #tpu.memory_space<hbm>> -> memref<1x56x64xi32, #tpu.memory_space<hbm>>
      %dma_start3A_208 = tpu.memref_squeeze %dma_start3A_207 : memref<1x56x64xi32, #tpu.memory_space<hbm>> -> memref<56x64xi32, #tpu.memory_space<hbm>>
      %dma_start3A_209 = arith.constant 0 : i32
      %dma_start3A_210 = tpu.memref_slice %arg4[%run_scoped3A_7, %mul3A_6, %dma_start3A_209] : memref<3x1792x64xi32, #tpu.memory_space<hbm>> -> memref<1x56x64xi32, #tpu.memory_space<hbm>>
      %dma_start3A_211 = tpu.memref_squeeze %dma_start3A_210 : memref<1x56x64xi32, #tpu.memory_space<hbm>> -> memref<56x64xi32, #tpu.memory_space<hbm>>
      tpu.enqueue_dma source(%dma_start3A_211 : memref<56x64xi32, #tpu.memory_space<hbm>>) target(%arg8 : memref<56x64xi32, #tpu.memory_space<vmem>>) target_semaphore(%run_scoped3A_205 : memref<!tpu.dma_semaphore, #tpu.memory_space<semaphore_mem>>)
      %dma_wait3A_212 = arith.constant 0 : i32
      %dma_wait3A_213 = tpu.memref_slice %arg4[%run_scoped3A_7, %mul3A_6, %dma_wait3A_212] : memref<3x1792x64xi32, #tpu.memory_space<hbm>> -> memref<1x56x64xi32, #tpu.memory_space<hbm>>
      %dma_wait3A_214 = tpu.memref_squeeze %dma_wait3A_213 : memref<1x56x64xi32, #tpu.memory_space<hbm>> -> memref<56x64xi32, #tpu.memory_space<hbm>>
      %dma_wait3A_215 = arith.constant 0 : i32
      %dma_wait3A_216 = tpu.memref_slice %arg4[%run_scoped3A_7, %mul3A_6, %dma_wait3A_215] : memref<3x1792x64xi32, #tpu.memory_space<hbm>> -> memref<1x56x64xi32, #tpu.memory_space<hbm>>
      %dma_wait3A_217 = tpu.memref_squeeze %dma_wait3A_216 : memref<1x56x64xi32, #tpu.memory_space<hbm>> -> memref<56x64xi32, #tpu.memory_space<hbm>>
      tpu.wait_dma2 semaphore(%run_scoped3A_205 : memref<!tpu.dma_semaphore, #tpu.memory_space<semaphore_mem>>) src(%dma_wait3A_217 : memref<56x64xi32, #tpu.memory_space<hbm>>) dst(%arg8 : memref<56x64xi32, #tpu.memory_space<vmem>>)
      tpu.yield
    }) : () -> ()
    "tpu.region"() ({
      %run_scoped3A_205 = tpu.sem_alloc : memref<!tpu.dma_semaphore, #tpu.memory_space<semaphore_mem>>
      %dma_start3A_206 = arith.constant 0 : i32
      %dma_start3A_207 = tpu.memref_slice %arg10[%mul3A_2, %dma_start3A_206] : memref<10240x128xf32, #tpu.memory_space<vmem_shared>> -> memref<640x128xf32, #tpu.memory_space<vmem_shared>>
      tpu.enqueue_dma source(%arg5 : memref<640x128xf32, #tpu.memory_space<hbm>>) target(%dma_start3A_207 : memref<640x128xf32, #tpu.memory_space<vmem_shared>>) target_semaphore(%run_scoped3A_205 : memref<!tpu.dma_semaphore, #tpu.memory_space<semaphore_mem>>)
      %dma_wait3A_208 = arith.constant 0 : i32
      %dma_wait3A_209 = tpu.memref_slice %arg10[%mul3A_2, %dma_wait3A_208] : memref<10240x128xf32, #tpu.memory_space<vmem_shared>> -> memref<640x128xf32, #tpu.memory_space<vmem_shared>>
      tpu.wait_dma2 semaphore(%run_scoped3A_205 : memref<!tpu.dma_semaphore, #tpu.memory_space<semaphore_mem>>) src(%arg5 : memref<640x128xf32, #tpu.memory_space<hbm>>) dst(%dma_wait3A_209 : memref<640x128xf32, #tpu.memory_space<vmem_shared>>)
      tpu.yield
    }) : () -> ()
    %barrier3A = arith.constant 0 : index
    tpu.barrier barrier_id(%barrier3A)
    %dma_start3A = arith.constant 0 : i32
    %dma_start3A_8 = arith.constant 0 : i32
    %dma_start3A_9 = arith.constant 0 : i32
    %dma_start3A_10 = arith.constant 0 : i32
    %dma_start3A_11 = tpu.memref_slice %arg9[%dma_start3A_8, %dma_start3A_9, %dma_start3A_10] : memref<4x64x128xf32, #tpu.memory_space<vmem>> -> memref<1x64x128xf32, #tpu.memory_space<vmem>>
    %dma_start3A_12 = tpu.memref_squeeze %dma_start3A_11 : memref<1x64x128xf32, #tpu.memory_space<vmem>> -> memref<64x128xf32, #tpu.memory_space<vmem>>
    %dma_start3A_13 = arith.constant 0 : i32
    %dma_start3A_14 = tpu.memref_slice %arg7[%dma_start3A, %dma_start3A_13] : memref<56x64xi32, #tpu.memory_space<vmem>> -> memref<1x64xi32, #tpu.memory_space<vmem>>
    %dma_start3A_15 = tpu.memref_squeeze %dma_start3A_14 : memref<1x64xi32, #tpu.memory_space<vmem>> -> memref<64xi32, #tpu.memory_space<vmem>>
    %dma_start3A_16 = arith.constant 0 : i32
    %dma_start3A_17 = arith.constant 0 : i32
    %dma_start3A_18 = tpu.memref_slice %arg2[%dma_start3A_16, %dma_start3A_17] : memref<10000x128xf32, #tpu.memory_space<hbm>> -> memref<10000x128xf32, #tpu.memory_space<hbm>>
    tpu.enqueue_indirect_dma source(%dma_start3A_18 : memref<10000x128xf32, #tpu.memory_space<hbm>>) target(%dma_start3A_12 : memref<64x128xf32, #tpu.memory_space<vmem>>) offsets(%dma_start3A_15 : memref<64xi32, #tpu.memory_space<vmem>>) semaphore(%arg11 : memref<!tpu.dma_semaphore, #tpu.memory_space<semaphore_mem>>)
    %dma_start3A_19 = arith.constant 1 : i32
    %dma_start3A_20 = arith.constant 1 : i32
    %dma_start3A_21 = arith.constant 0 : i32
    %dma_start3A_22 = arith.constant 0 : i32
    %dma_start3A_23 = tpu.memref_slice %arg9[%dma_start3A_20, %dma_start3A_21, %dma_start3A_22] : memref<4x64x128xf32, #tpu.memory_space<vmem>> -> memref<1x64x128xf32, #tpu.memory_space<vmem>>
    %dma_start3A_24 = tpu.memref_squeeze %dma_start3A_23 : memref<1x64x128xf32, #tpu.memory_space<vmem>> -> memref<64x128xf32, #tpu.memory_space<vmem>>
    %dma_start3A_25 = arith.constant 0 : i32
    %dma_start3A_26 = tpu.memref_slice %arg7[%dma_start3A_19, %dma_start3A_25] : memref<56x64xi32, #tpu.memory_space<vmem>> -> memref<1x64xi32, #tpu.memory_space<vmem>>
    %dma_start3A_27 = tpu.memref_squeeze %dma_start3A_26 : memref<1x64xi32, #tpu.memory_space<vmem>> -> memref<64xi32, #tpu.memory_space<vmem>>
    %dma_start3A_28 = arith.constant 0 : i32
    %dma_start3A_29 = arith.constant 0 : i32
    %dma_start3A_30 = tpu.memref_slice %arg2[%dma_start3A_28, %dma_start3A_29] : memref<10000x128xf32, #tpu.memory_space<hbm>> -> memref<10000x128xf32, #tpu.memory_space<hbm>>
    tpu.enqueue_indirect_dma source(%dma_start3A_30 : memref<10000x128xf32, #tpu.memory_space<hbm>>) target(%dma_start3A_24 : memref<64x128xf32, #tpu.memory_space<vmem>>) offsets(%dma_start3A_27 : memref<64xi32, #tpu.memory_space<vmem>>) semaphore(%arg11 : memref<!tpu.dma_semaphore, #tpu.memory_space<semaphore_mem>>)
    %dma_start3A_31 = arith.constant 2 : i32
    %dma_start3A_32 = arith.constant 2 : i32
    %dma_start3A_33 = arith.constant 0 : i32
    %dma_start3A_34 = arith.constant 0 : i32
    %dma_start3A_35 = tpu.memref_slice %arg9[%dma_start3A_32, %dma_start3A_33, %dma_start3A_34] : memref<4x64x128xf32, #tpu.memory_space<vmem>> -> memref<1x64x128xf32, #tpu.memory_space<vmem>>
    %dma_start3A_36 = tpu.memref_squeeze %dma_start3A_35 : memref<1x64x128xf32, #tpu.memory_space<vmem>> -> memref<64x128xf32, #tpu.memory_space<vmem>>
    %dma_start3A_37 = arith.constant 0 : i32
    %dma_start3A_38 = tpu.memref_slice %arg7[%dma_start3A_31, %dma_start3A_37] : memref<56x64xi32, #tpu.memory_space<vmem>> -> memref<1x64xi32, #tpu.memory_space<vmem>>
    %dma_start3A_39 = tpu.memref_squeeze %dma_start3A_38 : memref<1x64xi32, #tpu.memory_space<vmem>> -> memref<64xi32, #tpu.memory_space<vmem>>
    %dma_start3A_40 = arith.constant 0 : i32
    %dma_start3A_41 = arith.constant 0 : i32
    %dma_start3A_42 = tpu.memref_slice %arg2[%dma_start3A_40, %dma_start3A_41] : memref<10000x128xf32, #tpu.memory_space<hbm>> -> memref<10000x128xf32, #tpu.memory_space<hbm>>
    tpu.enqueue_indirect_dma source(%dma_start3A_42 : memref<10000x128xf32, #tpu.memory_space<hbm>>) target(%dma_start3A_36 : memref<64x128xf32, #tpu.memory_space<vmem>>) offsets(%dma_start3A_39 : memref<64xi32, #tpu.memory_space<vmem>>) semaphore(%arg11 : memref<!tpu.dma_semaphore, #tpu.memory_space<semaphore_mem>>)
    %scan3A = arith.constant 0 : i32
    %scan3A_43 = arith.constant 0 : i32
    %scan3A_44 = arith.constant 50 : i32
    %scan3A_45 = arith.addi %scan3A_43, %scan3A_44 : i32
    %scan3A_46 = arith.constant 1 : i32
    scf.for %scan3A_205 = %scan3A_43 to %scan3A_45 step %scan3A_46  : i32 {
      %rem3A = arith.constant 4 : i32
      %rem3A_206 = arith.remsi %scan3A_205, %rem3A : i32
      %dma_wait3A_207 = arith.constant 0 : i32
      %dma_wait3A_208 = arith.constant 0 : i32
      %dma_wait3A_209 = arith.constant 0 : i32
      %dma_wait3A_210 = tpu.memref_slice %arg9[%rem3A_206, %dma_wait3A_208, %dma_wait3A_209] : memref<4x64x128xf32, #tpu.memory_space<vmem>> -> memref<1x64x128xf32, #tpu.memory_space<vmem>>
      %dma_wait3A_211 = tpu.memref_squeeze %dma_wait3A_210 : memref<1x64x128xf32, #tpu.memory_space<vmem>> -> memref<64x128xf32, #tpu.memory_space<vmem>>
      %dma_wait3A_212 = arith.constant 0 : i32
      %dma_wait3A_213 = tpu.memref_slice %arg7[%dma_wait3A_207, %dma_wait3A_212] : memref<56x64xi32, #tpu.memory_space<vmem>> -> memref<1x64xi32, #tpu.memory_space<vmem>>
      %dma_wait3A_214 = tpu.memref_squeeze %dma_wait3A_213 : memref<1x64xi32, #tpu.memory_space<vmem>> -> memref<64xi32, #tpu.memory_space<vmem>>
      %dma_wait3A_215 = arith.constant 0 : i32
      %dma_wait3A_216 = arith.constant 0 : i32
      %dma_wait3A_217 = tpu.memref_slice %arg2[%dma_wait3A_215, %dma_wait3A_216] : memref<10000x128xf32, #tpu.memory_space<hbm>> -> memref<10000x128xf32, #tpu.memory_space<hbm>>
      tpu.wait_indirect_dma semaphore(%arg11 : memref<!tpu.dma_semaphore, #tpu.memory_space<semaphore_mem>>) src(%dma_wait3A_217 : memref<10000x128xf32, #tpu.memory_space<hbm>>) dst(%dma_wait3A_211 : memref<64x128xf32, #tpu.memory_space<vmem>>)
      %dma_start3A_218 = arith.constant 0 : i32
      %dma_start3A_219 = arith.constant 0 : i32
      %dma_start3A_220 = tpu.memref_slice %arg9[%rem3A_206, %dma_start3A_218, %dma_start3A_219] : memref<4x64x128xf32, #tpu.memory_space<vmem>> -> memref<1x64x128xf32, #tpu.memory_space<vmem>>
      %dma_start3A_221 = tpu.memref_squeeze %dma_start3A_220 : memref<1x64x128xf32, #tpu.memory_space<vmem>> -> memref<64x128xf32, #tpu.memory_space<vmem>>
      %dma_start3A_222 = arith.constant 0 : i32
      %dma_start3A_223 = tpu.memref_slice %arg8[%scan3A_205, %dma_start3A_222] : memref<56x64xi32, #tpu.memory_space<vmem>> -> memref<1x64xi32, #tpu.memory_space<vmem>>
      %dma_start3A_224 = tpu.memref_squeeze %dma_start3A_223 : memref<1x64xi32, #tpu.memory_space<vmem>> -> memref<64xi32, #tpu.memory_space<vmem>>
      %dma_start3A_225 = arith.constant 0 : i32
      %dma_start3A_226 = arith.constant 0 : i32
      %dma_start3A_227 = tpu.memref_slice %arg10[%dma_start3A_225, %dma_start3A_226] : memref<10240x128xf32, #tpu.memory_space<vmem_shared>> -> memref<10240x128xf32, #tpu.memory_space<vmem_shared>>
      tpu.enqueue_indirect_dma source(%dma_start3A_221 : memref<64x128xf32, #tpu.memory_space<vmem>>) target(%dma_start3A_227 : memref<10240x128xf32, #tpu.memory_space<vmem_shared>>) offsets(%dma_start3A_224 : memref<64xi32, #tpu.memory_space<vmem>>) semaphore(%arg12 : memref<!tpu.dma_semaphore, #tpu.memory_space<semaphore_mem>>) {add = true}
      %ge3A = arith.constant 1 : i32
      %ge3A_228 = arith.cmpi sge, %scan3A_205, %ge3A : i32
      %convert_element_type3A = arith.extui %ge3A_228 : i1 to i32
      %cond3A = arith.constant 0 : i32
      %cond3A_229 = arith.cmpi ne, %convert_element_type3A, %cond3A : i32
      scf.if %cond3A_229 {
        %dma_wait3A_236 = arith.constant 0 : i32
        %dma_wait3A_237 = arith.constant 0 : i32
        %dma_wait3A_238 = arith.constant 0 : i32
        %dma_wait3A_239 = tpu.memref_slice %arg9[%rem3A_206, %dma_wait3A_237, %dma_wait3A_238] : memref<4x64x128xf32, #tpu.memory_space<vmem>> -> memref<1x64x128xf32, #tpu.memory_space<vmem>>
        %dma_wait3A_240 = tpu.memref_squeeze %dma_wait3A_239 : memref<1x64x128xf32, #tpu.memory_space<vmem>> -> memref<64x128xf32, #tpu.memory_space<vmem>>
        %dma_wait3A_241 = arith.constant 0 : i32
        %dma_wait3A_242 = tpu.memref_slice %arg8[%dma_wait3A_236, %dma_wait3A_241] : memref<56x64xi32, #tpu.memory_space<vmem>> -> memref<1x64xi32, #tpu.memory_space<vmem>>
        %dma_wait3A_243 = tpu.memref_squeeze %dma_wait3A_242 : memref<1x64xi32, #tpu.memory_space<vmem>> -> memref<64xi32, #tpu.memory_space<vmem>>
        %dma_wait3A_244 = arith.constant 0 : i32
        %dma_wait3A_245 = arith.constant 0 : i32
        %dma_wait3A_246 = tpu.memref_slice %arg10[%dma_wait3A_244, %dma_wait3A_245] : memref<10240x128xf32, #tpu.memory_space<vmem_shared>> -> memref<10240x128xf32, #tpu.memory_space<vmem_shared>>
        tpu.wait_indirect_dma semaphore(%arg12 : memref<!tpu.dma_semaphore, #tpu.memory_space<semaphore_mem>>) src(%dma_wait3A_240 : memref<64x128xf32, #tpu.memory_space<vmem>>) dst(%dma_wait3A_246 : memref<10240x128xf32, #tpu.memory_space<vmem_shared>>)
      } else {
      }
      %add3A_230 = arith.constant 3 : i32
      %add3A_231 = arith.addi %scan3A_205, %add3A_230 : i32
      %lt3A = arith.constant 50 : i32
      %lt3A_232 = arith.cmpi slt, %add3A_231, %lt3A : i32
      %convert_element_type3A_233 = arith.extui %lt3A_232 : i1 to i32
      %cond3A_234 = arith.constant 0 : i32
      %cond3A_235 = arith.cmpi ne, %convert_element_type3A_233, %cond3A_234 : i32
      scf.if %cond3A_235 {
        %add3A_236 = arith.constant 3 : i32
        %add3A_237 = arith.addi %scan3A_205, %add3A_236 : i32
        %rem3A_238 = arith.constant 4 : i32
        %rem3A_239 = arith.remsi %add3A_237, %rem3A_238 : i32
        %add3A_240 = arith.constant 3 : i32
        %add3A_241 = arith.addi %scan3A_205, %add3A_240 : i32
        %dma_start3A_242 = arith.constant 0 : i32
        %dma_start3A_243 = arith.constant 0 : i32
        %dma_start3A_244 = tpu.memref_slice %arg9[%rem3A_239, %dma_start3A_242, %dma_start3A_243] : memref<4x64x128xf32, #tpu.memory_space<vmem>> -> memref<1x64x128xf32, #tpu.memory_space<vmem>>
        %dma_start3A_245 = tpu.memref_squeeze %dma_start3A_244 : memref<1x64x128xf32, #tpu.memory_space<vmem>> -> memref<64x128xf32, #tpu.memory_space<vmem>>
        %dma_start3A_246 = arith.constant 0 : i32
        %dma_start3A_247 = tpu.memref_slice %arg7[%add3A_241, %dma_start3A_246] : memref<56x64xi32, #tpu.memory_space<vmem>> -> memref<1x64xi32, #tpu.memory_space<vmem>>
        %dma_start3A_248 = tpu.memref_squeeze %dma_start3A_247 : memref<1x64xi32, #tpu.memory_space<vmem>> -> memref<64xi32, #tpu.memory_space<vmem>>
        %dma_start3A_249 = arith.constant 0 : i32
        %dma_start3A_250 = arith.constant 0 : i32
        %dma_start3A_251 = tpu.memref_slice %arg2[%dma_start3A_249, %dma_start3A_250] : memref<10000x128xf32, #tpu.memory_space<hbm>> -> memref<10000x128xf32, #tpu.memory_space<hbm>>
        tpu.enqueue_indirect_dma source(%dma_start3A_251 : memref<10000x128xf32, #tpu.memory_space<hbm>>) target(%dma_start3A_245 : memref<64x128xf32, #tpu.memory_space<vmem>>) offsets(%dma_start3A_248 : memref<64xi32, #tpu.memory_space<vmem>>) semaphore(%arg11 : memref<!tpu.dma_semaphore, #tpu.memory_space<semaphore_mem>>)
      } else {
      }
    }
    %scan3A_47 = arith.constant 50 : i32
    %dma_wait3A = arith.constant 0 : i32
    %dma_wait3A_48 = arith.constant 0 : i32
    %dma_wait3A_49 = arith.constant 0 : i32
    %dma_wait3A_50 = arith.constant 0 : i32
    %dma_wait3A_51 = tpu.memref_slice %arg9[%dma_wait3A, %dma_wait3A_49, %dma_wait3A_50] : memref<4x64x128xf32, #tpu.memory_space<vmem>> -> memref<1x64x128xf32, #tpu.memory_space<vmem>>
    %dma_wait3A_52 = tpu.memref_squeeze %dma_wait3A_51 : memref<1x64x128xf32, #tpu.memory_space<vmem>> -> memref<64x128xf32, #tpu.memory_space<vmem>>
    %dma_wait3A_53 = arith.constant 0 : i32
    %dma_wait3A_54 = tpu.memref_slice %arg8[%dma_wait3A_48, %dma_wait3A_53] : memref<56x64xi32, #tpu.memory_space<vmem>> -> memref<1x64xi32, #tpu.memory_space<vmem>>
    %dma_wait3A_55 = tpu.memref_squeeze %dma_wait3A_54 : memref<1x64xi32, #tpu.memory_space<vmem>> -> memref<64xi32, #tpu.memory_space<vmem>>
    %dma_wait3A_56 = arith.constant 0 : i32
    %dma_wait3A_57 = arith.constant 0 : i32
    %dma_wait3A_58 = tpu.memref_slice %arg10[%dma_wait3A_56, %dma_wait3A_57] : memref<10240x128xf32, #tpu.memory_space<vmem_shared>> -> memref<10240x128xf32, #tpu.memory_space<vmem_shared>>
    tpu.wait_indirect_dma semaphore(%arg12 : memref<!tpu.dma_semaphore, #tpu.memory_space<semaphore_mem>>) src(%dma_wait3A_52 : memref<64x128xf32, #tpu.memory_space<vmem>>) dst(%dma_wait3A_58 : memref<10240x128xf32, #tpu.memory_space<vmem_shared>>)
    %barrier3A_59 = arith.constant 0 : index
    tpu.barrier barrier_id(%barrier3A_59)
    %mul3A_60 = arith.constant 3 : i32
    %mul3A_61 = arith.muli %arg0, %mul3A_60 : i32
    %add3A_62 = arith.constant 0 : i32
    %add3A_63 = arith.addi %mul3A_61, %add3A_62 : i32
    %mul3A_64 = arith.constant 10240 : i32
    %mul3A_65 = arith.muli %add3A_63, %mul3A_64 : i32
    %add3A_66 = arith.addi %mul3A_65, %mul3A_2 : i32
    "tpu.region"() ({
      %run_scoped3A_205 = tpu.sem_alloc : memref<!tpu.dma_semaphore, #tpu.memory_space<semaphore_mem>>
      %dma_start3A_206 = arith.constant 0 : i32
      %dma_start3A_207 = tpu.memref_slice %arg6[%add3A_66, %dma_start3A_206] : memref<61440x128xf32, #tpu.memory_space<hbm>> -> memref<640x128xf32, #tpu.memory_space<hbm>>
      %dma_start3A_208 = arith.constant 0 : i32
      %dma_start3A_209 = tpu.memref_slice %arg10[%mul3A_2, %dma_start3A_208] : memref<10240x128xf32, #tpu.memory_space<vmem_shared>> -> memref<640x128xf32, #tpu.memory_space<vmem_shared>>
      tpu.enqueue_dma source(%dma_start3A_209 : memref<640x128xf32, #tpu.memory_space<vmem_shared>>) target(%dma_start3A_207 : memref<640x128xf32, #tpu.memory_space<hbm>>) target_semaphore(%run_scoped3A_205 : memref<!tpu.dma_semaphore, #tpu.memory_space<semaphore_mem>>)
      %dma_wait3A_210 = arith.constant 0 : i32
      %dma_wait3A_211 = tpu.memref_slice %arg6[%add3A_66, %dma_wait3A_210] : memref<61440x128xf32, #tpu.memory_space<hbm>> -> memref<640x128xf32, #tpu.memory_space<hbm>>
      %dma_wait3A_212 = arith.constant 0 : i32
      %dma_wait3A_213 = tpu.memref_slice %arg10[%mul3A_2, %dma_wait3A_212] : memref<10240x128xf32, #tpu.memory_space<vmem_shared>> -> memref<640x128xf32, #tpu.memory_space<vmem_shared>>
      tpu.wait_dma2 semaphore(%run_scoped3A_205 : memref<!tpu.dma_semaphore, #tpu.memory_space<semaphore_mem>>) src(%dma_wait3A_213 : memref<640x128xf32, #tpu.memory_space<vmem_shared>>) dst(%dma_wait3A_211 : memref<640x128xf32, #tpu.memory_space<hbm>>)
      tpu.yield
    }) : () -> ()
    %mul3A_67 = arith.constant 56 : i32
    %mul3A_68 = arith.muli %add3A, %mul3A_67 : i32
    %run_scoped3A_69 = arith.constant 1 : i32
    "tpu.region"() ({
      %run_scoped3A_205 = tpu.sem_alloc : memref<!tpu.dma_semaphore, #tpu.memory_space<semaphore_mem>>
      %dma_start3A_206 = arith.constant 0 : i32
      %dma_start3A_207 = tpu.memref_slice %arg3[%run_scoped3A_69, %mul3A_68, %dma_start3A_206] : memref<3x1792x64xi32, #tpu.memory_space<hbm>> -> memref<1x56x64xi32, #tpu.memory_space<hbm>>
      %dma_start3A_208 = tpu.memref_squeeze %dma_start3A_207 : memref<1x56x64xi32, #tpu.memory_space<hbm>> -> memref<56x64xi32, #tpu.memory_space<hbm>>
      %dma_start3A_209 = arith.constant 0 : i32
      %dma_start3A_210 = tpu.memref_slice %arg3[%run_scoped3A_69, %mul3A_68, %dma_start3A_209] : memref<3x1792x64xi32, #tpu.memory_space<hbm>> -> memref<1x56x64xi32, #tpu.memory_space<hbm>>
      %dma_start3A_211 = tpu.memref_squeeze %dma_start3A_210 : memref<1x56x64xi32, #tpu.memory_space<hbm>> -> memref<56x64xi32, #tpu.memory_space<hbm>>
      tpu.enqueue_dma source(%dma_start3A_211 : memref<56x64xi32, #tpu.memory_space<hbm>>) target(%arg7 : memref<56x64xi32, #tpu.memory_space<vmem>>) target_semaphore(%run_scoped3A_205 : memref<!tpu.dma_semaphore, #tpu.memory_space<semaphore_mem>>)
      %dma_wait3A_212 = arith.constant 0 : i32
      %dma_wait3A_213 = tpu.memref_slice %arg3[%run_scoped3A_69, %mul3A_68, %dma_wait3A_212] : memref<3x1792x64xi32, #tpu.memory_space<hbm>> -> memref<1x56x64xi32, #tpu.memory_space<hbm>>
      %dma_wait3A_214 = tpu.memref_squeeze %dma_wait3A_213 : memref<1x56x64xi32, #tpu.memory_space<hbm>> -> memref<56x64xi32, #tpu.memory_space<hbm>>
      %dma_wait3A_215 = arith.constant 0 : i32
      %dma_wait3A_216 = tpu.memref_slice %arg3[%run_scoped3A_69, %mul3A_68, %dma_wait3A_215] : memref<3x1792x64xi32, #tpu.memory_space<hbm>> -> memref<1x56x64xi32, #tpu.memory_space<hbm>>
      %dma_wait3A_217 = tpu.memref_squeeze %dma_wait3A_216 : memref<1x56x64xi32, #tpu.memory_space<hbm>> -> memref<56x64xi32, #tpu.memory_space<hbm>>
      tpu.wait_dma2 semaphore(%run_scoped3A_205 : memref<!tpu.dma_semaphore, #tpu.memory_space<semaphore_mem>>) src(%dma_wait3A_217 : memref<56x64xi32, #tpu.memory_space<hbm>>) dst(%arg7 : memref<56x64xi32, #tpu.memory_space<vmem>>)
      tpu.yield
    }) : () -> ()
    %mul3A_70 = arith.constant 56 : i32
    %mul3A_71 = arith.muli %add3A, %mul3A_70 : i32
    %run_scoped3A_72 = arith.constant 1 : i32
    "tpu.region"() ({
      %run_scoped3A_205 = tpu.sem_alloc : memref<!tpu.dma_semaphore, #tpu.memory_space<semaphore_mem>>
      %dma_start3A_206 = arith.constant 0 : i32
      %dma_start3A_207 = tpu.memref_slice %arg4[%run_scoped3A_72, %mul3A_71, %dma_start3A_206] : memref<3x1792x64xi32, #tpu.memory_space<hbm>> -> memref<1x56x64xi32, #tpu.memory_space<hbm>>
      %dma_start3A_208 = tpu.memref_squeeze %dma_start3A_207 : memref<1x56x64xi32, #tpu.memory_space<hbm>> -> memref<56x64xi32, #tpu.memory_space<hbm>>
      %dma_start3A_209 = arith.constant 0 : i32
      %dma_start3A_210 = tpu.memref_slice %arg4[%run_scoped3A_72, %mul3A_71, %dma_start3A_209] : memref<3x1792x64xi32, #tpu.memory_space<hbm>> -> memref<1x56x64xi32, #tpu.memory_space<hbm>>
      %dma_start3A_211 = tpu.memref_squeeze %dma_start3A_210 : memref<1x56x64xi32, #tpu.memory_space<hbm>> -> memref<56x64xi32, #tpu.memory_space<hbm>>
      tpu.enqueue_dma source(%dma_start3A_211 : memref<56x64xi32, #tpu.memory_space<hbm>>) target(%arg8 : memref<56x64xi32, #tpu.memory_space<vmem>>) target_semaphore(%run_scoped3A_205 : memref<!tpu.dma_semaphore, #tpu.memory_space<semaphore_mem>>)
      %dma_wait3A_212 = arith.constant 0 : i32
      %dma_wait3A_213 = tpu.memref_slice %arg4[%run_scoped3A_72, %mul3A_71, %dma_wait3A_212] : memref<3x1792x64xi32, #tpu.memory_space<hbm>> -> memref<1x56x64xi32, #tpu.memory_space<hbm>>
      %dma_wait3A_214 = tpu.memref_squeeze %dma_wait3A_213 : memref<1x56x64xi32, #tpu.memory_space<hbm>> -> memref<56x64xi32, #tpu.memory_space<hbm>>
      %dma_wait3A_215 = arith.constant 0 : i32
      %dma_wait3A_216 = tpu.memref_slice %arg4[%run_scoped3A_72, %mul3A_71, %dma_wait3A_215] : memref<3x1792x64xi32, #tpu.memory_space<hbm>> -> memref<1x56x64xi32, #tpu.memory_space<hbm>>
      %dma_wait3A_217 = tpu.memref_squeeze %dma_wait3A_216 : memref<1x56x64xi32, #tpu.memory_space<hbm>> -> memref<56x64xi32, #tpu.memory_space<hbm>>
      tpu.wait_dma2 semaphore(%run_scoped3A_205 : memref<!tpu.dma_semaphore, #tpu.memory_space<semaphore_mem>>) src(%dma_wait3A_217 : memref<56x64xi32, #tpu.memory_space<hbm>>) dst(%arg8 : memref<56x64xi32, #tpu.memory_space<vmem>>)
      tpu.yield
    }) : () -> ()
    "tpu.region"() ({
      %run_scoped3A_205 = tpu.sem_alloc : memref<!tpu.dma_semaphore, #tpu.memory_space<semaphore_mem>>
      %dma_start3A_206 = arith.constant 0 : i32
      %dma_start3A_207 = tpu.memref_slice %arg10[%mul3A_2, %dma_start3A_206] : memref<10240x128xf32, #tpu.memory_space<vmem_shared>> -> memref<640x128xf32, #tpu.memory_space<vmem_shared>>
      tpu.enqueue_dma source(%arg5 : memref<640x128xf32, #tpu.memory_space<hbm>>) target(%dma_start3A_207 : memref<640x128xf32, #tpu.memory_space<vmem_shared>>) target_semaphore(%run_scoped3A_205 : memref<!tpu.dma_semaphore, #tpu.memory_space<semaphore_mem>>)
      %dma_wait3A_208 = arith.constant 0 : i32
      %dma_wait3A_209 = tpu.memref_slice %arg10[%mul3A_2, %dma_wait3A_208] : memref<10240x128xf32, #tpu.memory_space<vmem_shared>> -> memref<640x128xf32, #tpu.memory_space<vmem_shared>>
      tpu.wait_dma2 semaphore(%run_scoped3A_205 : memref<!tpu.dma_semaphore, #tpu.memory_space<semaphore_mem>>) src(%arg5 : memref<640x128xf32, #tpu.memory_space<hbm>>) dst(%dma_wait3A_209 : memref<640x128xf32, #tpu.memory_space<vmem_shared>>)
      tpu.yield
    }) : () -> ()
    %barrier3A_73 = arith.constant 0 : index
    tpu.barrier barrier_id(%barrier3A_73)
    %dma_start3A_74 = arith.constant 0 : i32
    %dma_start3A_75 = arith.constant 0 : i32
    %dma_start3A_76 = arith.constant 0 : i32
    %dma_start3A_77 = arith.constant 0 : i32
    %dma_start3A_78 = tpu.memref_slice %arg9[%dma_start3A_75, %dma_start3A_76, %dma_start3A_77] : memref<4x64x128xf32, #tpu.memory_space<vmem>> -> memref<1x64x128xf32, #tpu.memory_space<vmem>>
    %dma_start3A_79 = tpu.memref_squeeze %dma_start3A_78 : memref<1x64x128xf32, #tpu.memory_space<vmem>> -> memref<64x128xf32, #tpu.memory_space<vmem>>
    %dma_start3A_80 = arith.constant 0 : i32
    %dma_start3A_81 = tpu.memref_slice %arg7[%dma_start3A_74, %dma_start3A_80] : memref<56x64xi32, #tpu.memory_space<vmem>> -> memref<1x64xi32, #tpu.memory_space<vmem>>
    %dma_start3A_82 = tpu.memref_squeeze %dma_start3A_81 : memref<1x64xi32, #tpu.memory_space<vmem>> -> memref<64xi32, #tpu.memory_space<vmem>>
    %dma_start3A_83 = arith.constant 0 : i32
    %dma_start3A_84 = arith.constant 0 : i32
    %dma_start3A_85 = tpu.memref_slice %arg2[%dma_start3A_83, %dma_start3A_84] : memref<10000x128xf32, #tpu.memory_space<hbm>> -> memref<10000x128xf32, #tpu.memory_space<hbm>>
    tpu.enqueue_indirect_dma source(%dma_start3A_85 : memref<10000x128xf32, #tpu.memory_space<hbm>>) target(%dma_start3A_79 : memref<64x128xf32, #tpu.memory_space<vmem>>) offsets(%dma_start3A_82 : memref<64xi32, #tpu.memory_space<vmem>>) semaphore(%arg11 : memref<!tpu.dma_semaphore, #tpu.memory_space<semaphore_mem>>)
    %dma_start3A_86 = arith.constant 1 : i32
    %dma_start3A_87 = arith.constant 1 : i32
    %dma_start3A_88 = arith.constant 0 : i32
    %dma_start3A_89 = arith.constant 0 : i32
    %dma_start3A_90 = tpu.memref_slice %arg9[%dma_start3A_87, %dma_start3A_88, %dma_start3A_89] : memref<4x64x128xf32, #tpu.memory_space<vmem>> -> memref<1x64x128xf32, #tpu.memory_space<vmem>>
    %dma_start3A_91 = tpu.memref_squeeze %dma_start3A_90 : memref<1x64x128xf32, #tpu.memory_space<vmem>> -> memref<64x128xf32, #tpu.memory_space<vmem>>
    %dma_start3A_92 = arith.constant 0 : i32
    %dma_start3A_93 = tpu.memref_slice %arg7[%dma_start3A_86, %dma_start3A_92] : memref<56x64xi32, #tpu.memory_space<vmem>> -> memref<1x64xi32, #tpu.memory_space<vmem>>
    %dma_start3A_94 = tpu.memref_squeeze %dma_start3A_93 : memref<1x64xi32, #tpu.memory_space<vmem>> -> memref<64xi32, #tpu.memory_space<vmem>>
    %dma_start3A_95 = arith.constant 0 : i32
    %dma_start3A_96 = arith.constant 0 : i32
    %dma_start3A_97 = tpu.memref_slice %arg2[%dma_start3A_95, %dma_start3A_96] : memref<10000x128xf32, #tpu.memory_space<hbm>> -> memref<10000x128xf32, #tpu.memory_space<hbm>>
    tpu.enqueue_indirect_dma source(%dma_start3A_97 : memref<10000x128xf32, #tpu.memory_space<hbm>>) target(%dma_start3A_91 : memref<64x128xf32, #tpu.memory_space<vmem>>) offsets(%dma_start3A_94 : memref<64xi32, #tpu.memory_space<vmem>>) semaphore(%arg11 : memref<!tpu.dma_semaphore, #tpu.memory_space<semaphore_mem>>)
    %dma_start3A_98 = arith.constant 2 : i32
    %dma_start3A_99 = arith.constant 2 : i32
    %dma_start3A_100 = arith.constant 0 : i32
    %dma_start3A_101 = arith.constant 0 : i32
    %dma_start3A_102 = tpu.memref_slice %arg9[%dma_start3A_99, %dma_start3A_100, %dma_start3A_101] : memref<4x64x128xf32, #tpu.memory_space<vmem>> -> memref<1x64x128xf32, #tpu.memory_space<vmem>>
    %dma_start3A_103 = tpu.memref_squeeze %dma_start3A_102 : memref<1x64x128xf32, #tpu.memory_space<vmem>> -> memref<64x128xf32, #tpu.memory_space<vmem>>
    %dma_start3A_104 = arith.constant 0 : i32
    %dma_start3A_105 = tpu.memref_slice %arg7[%dma_start3A_98, %dma_start3A_104] : memref<56x64xi32, #tpu.memory_space<vmem>> -> memref<1x64xi32, #tpu.memory_space<vmem>>
    %dma_start3A_106 = tpu.memref_squeeze %dma_start3A_105 : memref<1x64xi32, #tpu.memory_space<vmem>> -> memref<64xi32, #tpu.memory_space<vmem>>
    %dma_start3A_107 = arith.constant 0 : i32
    %dma_start3A_108 = arith.constant 0 : i32
    %dma_start3A_109 = tpu.memref_slice %arg2[%dma_start3A_107, %dma_start3A_108] : memref<10000x128xf32, #tpu.memory_space<hbm>> -> memref<10000x128xf32, #tpu.memory_space<hbm>>
    tpu.enqueue_indirect_dma source(%dma_start3A_109 : memref<10000x128xf32, #tpu.memory_space<hbm>>) target(%dma_start3A_103 : memref<64x128xf32, #tpu.memory_space<vmem>>) offsets(%dma_start3A_106 : memref<64xi32, #tpu.memory_space<vmem>>) semaphore(%arg11 : memref<!tpu.dma_semaphore, #tpu.memory_space<semaphore_mem>>)
    %scan3A_110 = arith.constant 0 : i32
    %scan3A_111 = arith.constant 0 : i32
    %scan3A_112 = arith.constant 50 : i32
    %scan3A_113 = arith.addi %scan3A_111, %scan3A_112 : i32
    %scan3A_114 = arith.constant 1 : i32
    scf.for %scan3A_205 = %scan3A_111 to %scan3A_113 step %scan3A_114  : i32 {
      %rem3A = arith.constant 4 : i32
      %rem3A_206 = arith.remsi %scan3A_205, %rem3A : i32
      %dma_wait3A_207 = arith.constant 0 : i32
      %dma_wait3A_208 = arith.constant 0 : i32
      %dma_wait3A_209 = arith.constant 0 : i32
      %dma_wait3A_210 = tpu.memref_slice %arg9[%rem3A_206, %dma_wait3A_208, %dma_wait3A_209] : memref<4x64x128xf32, #tpu.memory_space<vmem>> -> memref<1x64x128xf32, #tpu.memory_space<vmem>>
      %dma_wait3A_211 = tpu.memref_squeeze %dma_wait3A_210 : memref<1x64x128xf32, #tpu.memory_space<vmem>> -> memref<64x128xf32, #tpu.memory_space<vmem>>
      %dma_wait3A_212 = arith.constant 0 : i32
      %dma_wait3A_213 = tpu.memref_slice %arg7[%dma_wait3A_207, %dma_wait3A_212] : memref<56x64xi32, #tpu.memory_space<vmem>> -> memref<1x64xi32, #tpu.memory_space<vmem>>
      %dma_wait3A_214 = tpu.memref_squeeze %dma_wait3A_213 : memref<1x64xi32, #tpu.memory_space<vmem>> -> memref<64xi32, #tpu.memory_space<vmem>>
      %dma_wait3A_215 = arith.constant 0 : i32
      %dma_wait3A_216 = arith.constant 0 : i32
      %dma_wait3A_217 = tpu.memref_slice %arg2[%dma_wait3A_215, %dma_wait3A_216] : memref<10000x128xf32, #tpu.memory_space<hbm>> -> memref<10000x128xf32, #tpu.memory_space<hbm>>
      tpu.wait_indirect_dma semaphore(%arg11 : memref<!tpu.dma_semaphore, #tpu.memory_space<semaphore_mem>>) src(%dma_wait3A_217 : memref<10000x128xf32, #tpu.memory_space<hbm>>) dst(%dma_wait3A_211 : memref<64x128xf32, #tpu.memory_space<vmem>>)
      %dma_start3A_218 = arith.constant 0 : i32
      %dma_start3A_219 = arith.constant 0 : i32
      %dma_start3A_220 = tpu.memref_slice %arg9[%rem3A_206, %dma_start3A_218, %dma_start3A_219] : memref<4x64x128xf32, #tpu.memory_space<vmem>> -> memref<1x64x128xf32, #tpu.memory_space<vmem>>
      %dma_start3A_221 = tpu.memref_squeeze %dma_start3A_220 : memref<1x64x128xf32, #tpu.memory_space<vmem>> -> memref<64x128xf32, #tpu.memory_space<vmem>>
      %dma_start3A_222 = arith.constant 0 : i32
      %dma_start3A_223 = tpu.memref_slice %arg8[%scan3A_205, %dma_start3A_222] : memref<56x64xi32, #tpu.memory_space<vmem>> -> memref<1x64xi32, #tpu.memory_space<vmem>>
      %dma_start3A_224 = tpu.memref_squeeze %dma_start3A_223 : memref<1x64xi32, #tpu.memory_space<vmem>> -> memref<64xi32, #tpu.memory_space<vmem>>
      %dma_start3A_225 = arith.constant 0 : i32
      %dma_start3A_226 = arith.constant 0 : i32
      %dma_start3A_227 = tpu.memref_slice %arg10[%dma_start3A_225, %dma_start3A_226] : memref<10240x128xf32, #tpu.memory_space<vmem_shared>> -> memref<10240x128xf32, #tpu.memory_space<vmem_shared>>
      tpu.enqueue_indirect_dma source(%dma_start3A_221 : memref<64x128xf32, #tpu.memory_space<vmem>>) target(%dma_start3A_227 : memref<10240x128xf32, #tpu.memory_space<vmem_shared>>) offsets(%dma_start3A_224 : memref<64xi32, #tpu.memory_space<vmem>>) semaphore(%arg12 : memref<!tpu.dma_semaphore, #tpu.memory_space<semaphore_mem>>) {add = true}
      %ge3A = arith.constant 1 : i32
      %ge3A_228 = arith.cmpi sge, %scan3A_205, %ge3A : i32
      %convert_element_type3A = arith.extui %ge3A_228 : i1 to i32
      %cond3A = arith.constant 0 : i32
      %cond3A_229 = arith.cmpi ne, %convert_element_type3A, %cond3A : i32
      scf.if %cond3A_229 {
        %dma_wait3A_236 = arith.constant 0 : i32
        %dma_wait3A_237 = arith.constant 0 : i32
        %dma_wait3A_238 = arith.constant 0 : i32
        %dma_wait3A_239 = tpu.memref_slice %arg9[%rem3A_206, %dma_wait3A_237, %dma_wait3A_238] : memref<4x64x128xf32, #tpu.memory_space<vmem>> -> memref<1x64x128xf32, #tpu.memory_space<vmem>>
        %dma_wait3A_240 = tpu.memref_squeeze %dma_wait3A_239 : memref<1x64x128xf32, #tpu.memory_space<vmem>> -> memref<64x128xf32, #tpu.memory_space<vmem>>
        %dma_wait3A_241 = arith.constant 0 : i32
        %dma_wait3A_242 = tpu.memref_slice %arg8[%dma_wait3A_236, %dma_wait3A_241] : memref<56x64xi32, #tpu.memory_space<vmem>> -> memref<1x64xi32, #tpu.memory_space<vmem>>
        %dma_wait3A_243 = tpu.memref_squeeze %dma_wait3A_242 : memref<1x64xi32, #tpu.memory_space<vmem>> -> memref<64xi32, #tpu.memory_space<vmem>>
        %dma_wait3A_244 = arith.constant 0 : i32
        %dma_wait3A_245 = arith.constant 0 : i32
        %dma_wait3A_246 = tpu.memref_slice %arg10[%dma_wait3A_244, %dma_wait3A_245] : memref<10240x128xf32, #tpu.memory_space<vmem_shared>> -> memref<10240x128xf32, #tpu.memory_space<vmem_shared>>
        tpu.wait_indirect_dma semaphore(%arg12 : memref<!tpu.dma_semaphore, #tpu.memory_space<semaphore_mem>>) src(%dma_wait3A_240 : memref<64x128xf32, #tpu.memory_space<vmem>>) dst(%dma_wait3A_246 : memref<10240x128xf32, #tpu.memory_space<vmem_shared>>)
      } else {
      }
      %add3A_230 = arith.constant 3 : i32
      %add3A_231 = arith.addi %scan3A_205, %add3A_230 : i32
      %lt3A = arith.constant 50 : i32
      %lt3A_232 = arith.cmpi slt, %add3A_231, %lt3A : i32
      %convert_element_type3A_233 = arith.extui %lt3A_232 : i1 to i32
      %cond3A_234 = arith.constant 0 : i32
      %cond3A_235 = arith.cmpi ne, %convert_element_type3A_233, %cond3A_234 : i32
      scf.if %cond3A_235 {
        %add3A_236 = arith.constant 3 : i32
        %add3A_237 = arith.addi %scan3A_205, %add3A_236 : i32
        %rem3A_238 = arith.constant 4 : i32
        %rem3A_239 = arith.remsi %add3A_237, %rem3A_238 : i32
        %add3A_240 = arith.constant 3 : i32
        %add3A_241 = arith.addi %scan3A_205, %add3A_240 : i32
        %dma_start3A_242 = arith.constant 0 : i32
        %dma_start3A_243 = arith.constant 0 : i32
        %dma_start3A_244 = tpu.memref_slice %arg9[%rem3A_239, %dma_start3A_242, %dma_start3A_243] : memref<4x64x128xf32, #tpu.memory_space<vmem>> -> memref<1x64x128xf32, #tpu.memory_space<vmem>>
        %dma_start3A_245 = tpu.memref_squeeze %dma_start3A_244 : memref<1x64x128xf32, #tpu.memory_space<vmem>> -> memref<64x128xf32, #tpu.memory_space<vmem>>
        %dma_start3A_246 = arith.constant 0 : i32
        %dma_start3A_247 = tpu.memref_slice %arg7[%add3A_241, %dma_start3A_246] : memref<56x64xi32, #tpu.memory_space<vmem>> -> memref<1x64xi32, #tpu.memory_space<vmem>>
        %dma_start3A_248 = tpu.memref_squeeze %dma_start3A_247 : memref<1x64xi32, #tpu.memory_space<vmem>> -> memref<64xi32, #tpu.memory_space<vmem>>
        %dma_start3A_249 = arith.constant 0 : i32
        %dma_start3A_250 = arith.constant 0 : i32
        %dma_start3A_251 = tpu.memref_slice %arg2[%dma_start3A_249, %dma_start3A_250] : memref<10000x128xf32, #tpu.memory_space<hbm>> -> memref<10000x128xf32, #tpu.memory_space<hbm>>
        tpu.enqueue_indirect_dma source(%dma_start3A_251 : memref<10000x128xf32, #tpu.memory_space<hbm>>) target(%dma_start3A_245 : memref<64x128xf32, #tpu.memory_space<vmem>>) offsets(%dma_start3A_248 : memref<64xi32, #tpu.memory_space<vmem>>) semaphore(%arg11 : memref<!tpu.dma_semaphore, #tpu.memory_space<semaphore_mem>>)
      } else {
      }
    }
    %scan3A_115 = arith.constant 50 : i32
    %dma_wait3A_116 = arith.constant 0 : i32
    %dma_wait3A_117 = arith.constant 0 : i32
    %dma_wait3A_118 = arith.constant 0 : i32
    %dma_wait3A_119 = arith.constant 0 : i32
    %dma_wait3A_120 = tpu.memref_slice %arg9[%dma_wait3A_116, %dma_wait3A_118, %dma_wait3A_119] : memref<4x64x128xf32, #tpu.memory_space<vmem>> -> memref<1x64x128xf32, #tpu.memory_space<vmem>>
    %dma_wait3A_121 = tpu.memref_squeeze %dma_wait3A_120 : memref<1x64x128xf32, #tpu.memory_space<vmem>> -> memref<64x128xf32, #tpu.memory_space<vmem>>
    %dma_wait3A_122 = arith.constant 0 : i32
    %dma_wait3A_123 = tpu.memref_slice %arg8[%dma_wait3A_117, %dma_wait3A_122] : memref<56x64xi32, #tpu.memory_space<vmem>> -> memref<1x64xi32, #tpu.memory_space<vmem>>
    %dma_wait3A_124 = tpu.memref_squeeze %dma_wait3A_123 : memref<1x64xi32, #tpu.memory_space<vmem>> -> memref<64xi32, #tpu.memory_space<vmem>>
    %dma_wait3A_125 = arith.constant 0 : i32
    %dma_wait3A_126 = arith.constant 0 : i32
    %dma_wait3A_127 = tpu.memref_slice %arg10[%dma_wait3A_125, %dma_wait3A_126] : memref<10240x128xf32, #tpu.memory_space<vmem_shared>> -> memref<10240x128xf32, #tpu.memory_space<vmem_shared>>
    tpu.wait_indirect_dma semaphore(%arg12 : memref<!tpu.dma_semaphore, #tpu.memory_space<semaphore_mem>>) src(%dma_wait3A_121 : memref<64x128xf32, #tpu.memory_space<vmem>>) dst(%dma_wait3A_127 : memref<10240x128xf32, #tpu.memory_space<vmem_shared>>)
    %barrier3A_128 = arith.constant 0 : index
    tpu.barrier barrier_id(%barrier3A_128)
    %mul3A_129 = arith.constant 3 : i32
    %mul3A_130 = arith.muli %arg0, %mul3A_129 : i32
    %add3A_131 = arith.constant 1 : i32
    %add3A_132 = arith.addi %mul3A_130, %add3A_131 : i32
    %mul3A_133 = arith.constant 10240 : i32
    %mul3A_134 = arith.muli %add3A_132, %mul3A_133 : i32
    %add3A_135 = arith.addi %mul3A_134, %mul3A_2 : i32
    "tpu.region"() ({
      %run_scoped3A_205 = tpu.sem_alloc : memref<!tpu.dma_semaphore, #tpu.memory_space<semaphore_mem>>
      %dma_start3A_206 = arith.constant 0 : i32
      %dma_start3A_207 = tpu.memref_slice %arg6[%add3A_135, %dma_start3A_206] : memref<61440x128xf32, #tpu.memory_space<hbm>> -> memref<640x128xf32, #tpu.memory_space<hbm>>
      %dma_start3A_208 = arith.constant 0 : i32
      %dma_start3A_209 = tpu.memref_slice %arg10[%mul3A_2, %dma_start3A_208] : memref<10240x128xf32, #tpu.memory_space<vmem_shared>> -> memref<640x128xf32, #tpu.memory_space<vmem_shared>>
      tpu.enqueue_dma source(%dma_start3A_209 : memref<640x128xf32, #tpu.memory_space<vmem_shared>>) target(%dma_start3A_207 : memref<640x128xf32, #tpu.memory_space<hbm>>) target_semaphore(%run_scoped3A_205 : memref<!tpu.dma_semaphore, #tpu.memory_space<semaphore_mem>>)
      %dma_wait3A_210 = arith.constant 0 : i32
      %dma_wait3A_211 = tpu.memref_slice %arg6[%add3A_135, %dma_wait3A_210] : memref<61440x128xf32, #tpu.memory_space<hbm>> -> memref<640x128xf32, #tpu.memory_space<hbm>>
      %dma_wait3A_212 = arith.constant 0 : i32
      %dma_wait3A_213 = tpu.memref_slice %arg10[%mul3A_2, %dma_wait3A_212] : memref<10240x128xf32, #tpu.memory_space<vmem_shared>> -> memref<640x128xf32, #tpu.memory_space<vmem_shared>>
      tpu.wait_dma2 semaphore(%run_scoped3A_205 : memref<!tpu.dma_semaphore, #tpu.memory_space<semaphore_mem>>) src(%dma_wait3A_213 : memref<640x128xf32, #tpu.memory_space<vmem_shared>>) dst(%dma_wait3A_211 : memref<640x128xf32, #tpu.memory_space<hbm>>)
      tpu.yield
    }) : () -> ()
    %mul3A_136 = arith.constant 56 : i32
    %mul3A_137 = arith.muli %add3A, %mul3A_136 : i32
    %run_scoped3A_138 = arith.constant 2 : i32
    "tpu.region"() ({
      %run_scoped3A_205 = tpu.sem_alloc : memref<!tpu.dma_semaphore, #tpu.memory_space<semaphore_mem>>
      %dma_start3A_206 = arith.constant 0 : i32
      %dma_start3A_207 = tpu.memref_slice %arg3[%run_scoped3A_138, %mul3A_137, %dma_start3A_206] : memref<3x1792x64xi32, #tpu.memory_space<hbm>> -> memref<1x56x64xi32, #tpu.memory_space<hbm>>
      %dma_start3A_208 = tpu.memref_squeeze %dma_start3A_207 : memref<1x56x64xi32, #tpu.memory_space<hbm>> -> memref<56x64xi32, #tpu.memory_space<hbm>>
      %dma_start3A_209 = arith.constant 0 : i32
      %dma_start3A_210 = tpu.memref_slice %arg3[%run_scoped3A_138, %mul3A_137, %dma_start3A_209] : memref<3x1792x64xi32, #tpu.memory_space<hbm>> -> memref<1x56x64xi32, #tpu.memory_space<hbm>>
      %dma_start3A_211 = tpu.memref_squeeze %dma_start3A_210 : memref<1x56x64xi32, #tpu.memory_space<hbm>> -> memref<56x64xi32, #tpu.memory_space<hbm>>
      tpu.enqueue_dma source(%dma_start3A_211 : memref<56x64xi32, #tpu.memory_space<hbm>>) target(%arg7 : memref<56x64xi32, #tpu.memory_space<vmem>>) target_semaphore(%run_scoped3A_205 : memref<!tpu.dma_semaphore, #tpu.memory_space<semaphore_mem>>)
      %dma_wait3A_212 = arith.constant 0 : i32
      %dma_wait3A_213 = tpu.memref_slice %arg3[%run_scoped3A_138, %mul3A_137, %dma_wait3A_212] : memref<3x1792x64xi32, #tpu.memory_space<hbm>> -> memref<1x56x64xi32, #tpu.memory_space<hbm>>
      %dma_wait3A_214 = tpu.memref_squeeze %dma_wait3A_213 : memref<1x56x64xi32, #tpu.memory_space<hbm>> -> memref<56x64xi32, #tpu.memory_space<hbm>>
      %dma_wait3A_215 = arith.constant 0 : i32
      %dma_wait3A_216 = tpu.memref_slice %arg3[%run_scoped3A_138, %mul3A_137, %dma_wait3A_215] : memref<3x1792x64xi32, #tpu.memory_space<hbm>> -> memref<1x56x64xi32, #tpu.memory_space<hbm>>
      %dma_wait3A_217 = tpu.memref_squeeze %dma_wait3A_216 : memref<1x56x64xi32, #tpu.memory_space<hbm>> -> memref<56x64xi32, #tpu.memory_space<hbm>>
      tpu.wait_dma2 semaphore(%run_scoped3A_205 : memref<!tpu.dma_semaphore, #tpu.memory_space<semaphore_mem>>) src(%dma_wait3A_217 : memref<56x64xi32, #tpu.memory_space<hbm>>) dst(%arg7 : memref<56x64xi32, #tpu.memory_space<vmem>>)
      tpu.yield
    }) : () -> ()
    %mul3A_139 = arith.constant 56 : i32
    %mul3A_140 = arith.muli %add3A, %mul3A_139 : i32
    %run_scoped3A_141 = arith.constant 2 : i32
    "tpu.region"() ({
      %run_scoped3A_205 = tpu.sem_alloc : memref<!tpu.dma_semaphore, #tpu.memory_space<semaphore_mem>>
      %dma_start3A_206 = arith.constant 0 : i32
      %dma_start3A_207 = tpu.memref_slice %arg4[%run_scoped3A_141, %mul3A_140, %dma_start3A_206] : memref<3x1792x64xi32, #tpu.memory_space<hbm>> -> memref<1x56x64xi32, #tpu.memory_space<hbm>>
      %dma_start3A_208 = tpu.memref_squeeze %dma_start3A_207 : memref<1x56x64xi32, #tpu.memory_space<hbm>> -> memref<56x64xi32, #tpu.memory_space<hbm>>
      %dma_start3A_209 = arith.constant 0 : i32
      %dma_start3A_210 = tpu.memref_slice %arg4[%run_scoped3A_141, %mul3A_140, %dma_start3A_209] : memref<3x1792x64xi32, #tpu.memory_space<hbm>> -> memref<1x56x64xi32, #tpu.memory_space<hbm>>
      %dma_start3A_211 = tpu.memref_squeeze %dma_start3A_210 : memref<1x56x64xi32, #tpu.memory_space<hbm>> -> memref<56x64xi32, #tpu.memory_space<hbm>>
      tpu.enqueue_dma source(%dma_start3A_211 : memref<56x64xi32, #tpu.memory_space<hbm>>) target(%arg8 : memref<56x64xi32, #tpu.memory_space<vmem>>) target_semaphore(%run_scoped3A_205 : memref<!tpu.dma_semaphore, #tpu.memory_space<semaphore_mem>>)
      %dma_wait3A_212 = arith.constant 0 : i32
      %dma_wait3A_213 = tpu.memref_slice %arg4[%run_scoped3A_141, %mul3A_140, %dma_wait3A_212] : memref<3x1792x64xi32, #tpu.memory_space<hbm>> -> memref<1x56x64xi32, #tpu.memory_space<hbm>>
      %dma_wait3A_214 = tpu.memref_squeeze %dma_wait3A_213 : memref<1x56x64xi32, #tpu.memory_space<hbm>> -> memref<56x64xi32, #tpu.memory_space<hbm>>
      %dma_wait3A_215 = arith.constant 0 : i32
      %dma_wait3A_216 = tpu.memref_slice %arg4[%run_scoped3A_141, %mul3A_140, %dma_wait3A_215] : memref<3x1792x64xi32, #tpu.memory_space<hbm>> -> memref<1x56x64xi32, #tpu.memory_space<hbm>>
      %dma_wait3A_217 = tpu.memref_squeeze %dma_wait3A_216 : memref<1x56x64xi32, #tpu.memory_space<hbm>> -> memref<56x64xi32, #tpu.memory_space<hbm>>
      tpu.wait_dma2 semaphore(%run_scoped3A_205 : memref<!tpu.dma_semaphore, #tpu.memory_space<semaphore_mem>>) src(%dma_wait3A_217 : memref<56x64xi32, #tpu.memory_space<hbm>>) dst(%arg8 : memref<56x64xi32, #tpu.memory_space<vmem>>)
      tpu.yield
    }) : () -> ()
    "tpu.region"() ({
      %run_scoped3A_205 = tpu.sem_alloc : memref<!tpu.dma_semaphore, #tpu.memory_space<semaphore_mem>>
      %dma_start3A_206 = arith.constant 0 : i32
      %dma_start3A_207 = tpu.memref_slice %arg10[%mul3A_2, %dma_start3A_206] : memref<10240x128xf32, #tpu.memory_space<vmem_shared>> -> memref<640x128xf32, #tpu.memory_space<vmem_shared>>
      tpu.enqueue_dma source(%arg5 : memref<640x128xf32, #tpu.memory_space<hbm>>) target(%dma_start3A_207 : memref<640x128xf32, #tpu.memory_space<vmem_shared>>) target_semaphore(%run_scoped3A_205 : memref<!tpu.dma_semaphore, #tpu.memory_space<semaphore_mem>>)
      %dma_wait3A_208 = arith.constant 0 : i32
      %dma_wait3A_209 = tpu.memref_slice %arg10[%mul3A_2, %dma_wait3A_208] : memref<10240x128xf32, #tpu.memory_space<vmem_shared>> -> memref<640x128xf32, #tpu.memory_space<vmem_shared>>
      tpu.wait_dma2 semaphore(%run_scoped3A_205 : memref<!tpu.dma_semaphore, #tpu.memory_space<semaphore_mem>>) src(%arg5 : memref<640x128xf32, #tpu.memory_space<hbm>>) dst(%dma_wait3A_209 : memref<640x128xf32, #tpu.memory_space<vmem_shared>>)
      tpu.yield
    }) : () -> ()
    %barrier3A_142 = arith.constant 0 : index
    tpu.barrier barrier_id(%barrier3A_142)
    %dma_start3A_143 = arith.constant 0 : i32
    %dma_start3A_144 = arith.constant 0 : i32
    %dma_start3A_145 = arith.constant 0 : i32
    %dma_start3A_146 = arith.constant 0 : i32
    %dma_start3A_147 = tpu.memref_slice %arg9[%dma_start3A_144, %dma_start3A_145, %dma_start3A_146] : memref<4x64x128xf32, #tpu.memory_space<vmem>> -> memref<1x64x128xf32, #tpu.memory_space<vmem>>
    %dma_start3A_148 = tpu.memref_squeeze %dma_start3A_147 : memref<1x64x128xf32, #tpu.memory_space<vmem>> -> memref<64x128xf32, #tpu.memory_space<vmem>>
    %dma_start3A_149 = arith.constant 0 : i32
    %dma_start3A_150 = tpu.memref_slice %arg7[%dma_start3A_143, %dma_start3A_149] : memref<56x64xi32, #tpu.memory_space<vmem>> -> memref<1x64xi32, #tpu.memory_space<vmem>>
    %dma_start3A_151 = tpu.memref_squeeze %dma_start3A_150 : memref<1x64xi32, #tpu.memory_space<vmem>> -> memref<64xi32, #tpu.memory_space<vmem>>
    %dma_start3A_152 = arith.constant 0 : i32
    %dma_start3A_153 = arith.constant 0 : i32
    %dma_start3A_154 = tpu.memref_slice %arg2[%dma_start3A_152, %dma_start3A_153] : memref<10000x128xf32, #tpu.memory_space<hbm>> -> memref<10000x128xf32, #tpu.memory_space<hbm>>
    tpu.enqueue_indirect_dma source(%dma_start3A_154 : memref<10000x128xf32, #tpu.memory_space<hbm>>) target(%dma_start3A_148 : memref<64x128xf32, #tpu.memory_space<vmem>>) offsets(%dma_start3A_151 : memref<64xi32, #tpu.memory_space<vmem>>) semaphore(%arg11 : memref<!tpu.dma_semaphore, #tpu.memory_space<semaphore_mem>>)
    %dma_start3A_155 = arith.constant 1 : i32
    %dma_start3A_156 = arith.constant 1 : i32
    %dma_start3A_157 = arith.constant 0 : i32
    %dma_start3A_158 = arith.constant 0 : i32
    %dma_start3A_159 = tpu.memref_slice %arg9[%dma_start3A_156, %dma_start3A_157, %dma_start3A_158] : memref<4x64x128xf32, #tpu.memory_space<vmem>> -> memref<1x64x128xf32, #tpu.memory_space<vmem>>
    %dma_start3A_160 = tpu.memref_squeeze %dma_start3A_159 : memref<1x64x128xf32, #tpu.memory_space<vmem>> -> memref<64x128xf32, #tpu.memory_space<vmem>>
    %dma_start3A_161 = arith.constant 0 : i32
    %dma_start3A_162 = tpu.memref_slice %arg7[%dma_start3A_155, %dma_start3A_161] : memref<56x64xi32, #tpu.memory_space<vmem>> -> memref<1x64xi32, #tpu.memory_space<vmem>>
    %dma_start3A_163 = tpu.memref_squeeze %dma_start3A_162 : memref<1x64xi32, #tpu.memory_space<vmem>> -> memref<64xi32, #tpu.memory_space<vmem>>
    %dma_start3A_164 = arith.constant 0 : i32
    %dma_start3A_165 = arith.constant 0 : i32
    %dma_start3A_166 = tpu.memref_slice %arg2[%dma_start3A_164, %dma_start3A_165] : memref<10000x128xf32, #tpu.memory_space<hbm>> -> memref<10000x128xf32, #tpu.memory_space<hbm>>
    tpu.enqueue_indirect_dma source(%dma_start3A_166 : memref<10000x128xf32, #tpu.memory_space<hbm>>) target(%dma_start3A_160 : memref<64x128xf32, #tpu.memory_space<vmem>>) offsets(%dma_start3A_163 : memref<64xi32, #tpu.memory_space<vmem>>) semaphore(%arg11 : memref<!tpu.dma_semaphore, #tpu.memory_space<semaphore_mem>>)
    %dma_start3A_167 = arith.constant 2 : i32
    %dma_start3A_168 = arith.constant 2 : i32
    %dma_start3A_169 = arith.constant 0 : i32
    %dma_start3A_170 = arith.constant 0 : i32
    %dma_start3A_171 = tpu.memref_slice %arg9[%dma_start3A_168, %dma_start3A_169, %dma_start3A_170] : memref<4x64x128xf32, #tpu.memory_space<vmem>> -> memref<1x64x128xf32, #tpu.memory_space<vmem>>
    %dma_start3A_172 = tpu.memref_squeeze %dma_start3A_171 : memref<1x64x128xf32, #tpu.memory_space<vmem>> -> memref<64x128xf32, #tpu.memory_space<vmem>>
    %dma_start3A_173 = arith.constant 0 : i32
    %dma_start3A_174 = tpu.memref_slice %arg7[%dma_start3A_167, %dma_start3A_173] : memref<56x64xi32, #tpu.memory_space<vmem>> -> memref<1x64xi32, #tpu.memory_space<vmem>>
    %dma_start3A_175 = tpu.memref_squeeze %dma_start3A_174 : memref<1x64xi32, #tpu.memory_space<vmem>> -> memref<64xi32, #tpu.memory_space<vmem>>
    %dma_start3A_176 = arith.constant 0 : i32
    %dma_start3A_177 = arith.constant 0 : i32
    %dma_start3A_178 = tpu.memref_slice %arg2[%dma_start3A_176, %dma_start3A_177] : memref<10000x128xf32, #tpu.memory_space<hbm>> -> memref<10000x128xf32, #tpu.memory_space<hbm>>
    tpu.enqueue_indirect_dma source(%dma_start3A_178 : memref<10000x128xf32, #tpu.memory_space<hbm>>) target(%dma_start3A_172 : memref<64x128xf32, #tpu.memory_space<vmem>>) offsets(%dma_start3A_175 : memref<64xi32, #tpu.memory_space<vmem>>) semaphore(%arg11 : memref<!tpu.dma_semaphore, #tpu.memory_space<semaphore_mem>>)
    %scan3A_179 = arith.constant 0 : i32
    %scan3A_180 = arith.constant 0 : i32
    %scan3A_181 = arith.constant 50 : i32
    %scan3A_182 = arith.addi %scan3A_180, %scan3A_181 : i32
    %scan3A_183 = arith.constant 1 : i32
    scf.for %scan3A_205 = %scan3A_180 to %scan3A_182 step %scan3A_183  : i32 {
      %rem3A = arith.constant 4 : i32
      %rem3A_206 = arith.remsi %scan3A_205, %rem3A : i32
      %dma_wait3A_207 = arith.constant 0 : i32
      %dma_wait3A_208 = arith.constant 0 : i32
      %dma_wait3A_209 = arith.constant 0 : i32
      %dma_wait3A_210 = tpu.memref_slice %arg9[%rem3A_206, %dma_wait3A_208, %dma_wait3A_209] : memref<4x64x128xf32, #tpu.memory_space<vmem>> -> memref<1x64x128xf32, #tpu.memory_space<vmem>>
      %dma_wait3A_211 = tpu.memref_squeeze %dma_wait3A_210 : memref<1x64x128xf32, #tpu.memory_space<vmem>> -> memref<64x128xf32, #tpu.memory_space<vmem>>
      %dma_wait3A_212 = arith.constant 0 : i32
      %dma_wait3A_213 = tpu.memref_slice %arg7[%dma_wait3A_207, %dma_wait3A_212] : memref<56x64xi32, #tpu.memory_space<vmem>> -> memref<1x64xi32, #tpu.memory_space<vmem>>
      %dma_wait3A_214 = tpu.memref_squeeze %dma_wait3A_213 : memref<1x64xi32, #tpu.memory_space<vmem>> -> memref<64xi32, #tpu.memory_space<vmem>>
      %dma_wait3A_215 = arith.constant 0 : i32
      %dma_wait3A_216 = arith.constant 0 : i32
      %dma_wait3A_217 = tpu.memref_slice %arg2[%dma_wait3A_215, %dma_wait3A_216] : memref<10000x128xf32, #tpu.memory_space<hbm>> -> memref<10000x128xf32, #tpu.memory_space<hbm>>
      tpu.wait_indirect_dma semaphore(%arg11 : memref<!tpu.dma_semaphore, #tpu.memory_space<semaphore_mem>>) src(%dma_wait3A_217 : memref<10000x128xf32, #tpu.memory_space<hbm>>) dst(%dma_wait3A_211 : memref<64x128xf32, #tpu.memory_space<vmem>>)
      %dma_start3A_218 = arith.constant 0 : i32
      %dma_start3A_219 = arith.constant 0 : i32
      %dma_start3A_220 = tpu.memref_slice %arg9[%rem3A_206, %dma_start3A_218, %dma_start3A_219] : memref<4x64x128xf32, #tpu.memory_space<vmem>> -> memref<1x64x128xf32, #tpu.memory_space<vmem>>
      %dma_start3A_221 = tpu.memref_squeeze %dma_start3A_220 : memref<1x64x128xf32, #tpu.memory_space<vmem>> -> memref<64x128xf32, #tpu.memory_space<vmem>>
      %dma_start3A_222 = arith.constant 0 : i32
      %dma_start3A_223 = tpu.memref_slice %arg8[%scan3A_205, %dma_start3A_222] : memref<56x64xi32, #tpu.memory_space<vmem>> -> memref<1x64xi32, #tpu.memory_space<vmem>>
      %dma_start3A_224 = tpu.memref_squeeze %dma_start3A_223 : memref<1x64xi32, #tpu.memory_space<vmem>> -> memref<64xi32, #tpu.memory_space<vmem>>
      %dma_start3A_225 = arith.constant 0 : i32
      %dma_start3A_226 = arith.constant 0 : i32
      %dma_start3A_227 = tpu.memref_slice %arg10[%dma_start3A_225, %dma_start3A_226] : memref<10240x128xf32, #tpu.memory_space<vmem_shared>> -> memref<10240x128xf32, #tpu.memory_space<vmem_shared>>
      tpu.enqueue_indirect_dma source(%dma_start3A_221 : memref<64x128xf32, #tpu.memory_space<vmem>>) target(%dma_start3A_227 : memref<10240x128xf32, #tpu.memory_space<vmem_shared>>) offsets(%dma_start3A_224 : memref<64xi32, #tpu.memory_space<vmem>>) semaphore(%arg12 : memref<!tpu.dma_semaphore, #tpu.memory_space<semaphore_mem>>) {add = true}
      %ge3A = arith.constant 1 : i32
      %ge3A_228 = arith.cmpi sge, %scan3A_205, %ge3A : i32
      %convert_element_type3A = arith.extui %ge3A_228 : i1 to i32
      %cond3A = arith.constant 0 : i32
      %cond3A_229 = arith.cmpi ne, %convert_element_type3A, %cond3A : i32
      scf.if %cond3A_229 {
        %dma_wait3A_236 = arith.constant 0 : i32
        %dma_wait3A_237 = arith.constant 0 : i32
        %dma_wait3A_238 = arith.constant 0 : i32
        %dma_wait3A_239 = tpu.memref_slice %arg9[%rem3A_206, %dma_wait3A_237, %dma_wait3A_238] : memref<4x64x128xf32, #tpu.memory_space<vmem>> -> memref<1x64x128xf32, #tpu.memory_space<vmem>>
        %dma_wait3A_240 = tpu.memref_squeeze %dma_wait3A_239 : memref<1x64x128xf32, #tpu.memory_space<vmem>> -> memref<64x128xf32, #tpu.memory_space<vmem>>
        %dma_wait3A_241 = arith.constant 0 : i32
        %dma_wait3A_242 = tpu.memref_slice %arg8[%dma_wait3A_236, %dma_wait3A_241] : memref<56x64xi32, #tpu.memory_space<vmem>> -> memref<1x64xi32, #tpu.memory_space<vmem>>
        %dma_wait3A_243 = tpu.memref_squeeze %dma_wait3A_242 : memref<1x64xi32, #tpu.memory_space<vmem>> -> memref<64xi32, #tpu.memory_space<vmem>>
        %dma_wait3A_244 = arith.constant 0 : i32
        %dma_wait3A_245 = arith.constant 0 : i32
        %dma_wait3A_246 = tpu.memref_slice %arg10[%dma_wait3A_244, %dma_wait3A_245] : memref<10240x128xf32, #tpu.memory_space<vmem_shared>> -> memref<10240x128xf32, #tpu.memory_space<vmem_shared>>
        tpu.wait_indirect_dma semaphore(%arg12 : memref<!tpu.dma_semaphore, #tpu.memory_space<semaphore_mem>>) src(%dma_wait3A_240 : memref<64x128xf32, #tpu.memory_space<vmem>>) dst(%dma_wait3A_246 : memref<10240x128xf32, #tpu.memory_space<vmem_shared>>)
      } else {
      }
      %add3A_230 = arith.constant 3 : i32
      %add3A_231 = arith.addi %scan3A_205, %add3A_230 : i32
      %lt3A = arith.constant 50 : i32
      %lt3A_232 = arith.cmpi slt, %add3A_231, %lt3A : i32
      %convert_element_type3A_233 = arith.extui %lt3A_232 : i1 to i32
      %cond3A_234 = arith.constant 0 : i32
      %cond3A_235 = arith.cmpi ne, %convert_element_type3A_233, %cond3A_234 : i32
      scf.if %cond3A_235 {
        %add3A_236 = arith.constant 3 : i32
        %add3A_237 = arith.addi %scan3A_205, %add3A_236 : i32
        %rem3A_238 = arith.constant 4 : i32
        %rem3A_239 = arith.remsi %add3A_237, %rem3A_238 : i32
        %add3A_240 = arith.constant 3 : i32
        %add3A_241 = arith.addi %scan3A_205, %add3A_240 : i32
        %dma_start3A_242 = arith.constant 0 : i32
        %dma_start3A_243 = arith.constant 0 : i32
        %dma_start3A_244 = tpu.memref_slice %arg9[%rem3A_239, %dma_start3A_242, %dma_start3A_243] : memref<4x64x128xf32, #tpu.memory_space<vmem>> -> memref<1x64x128xf32, #tpu.memory_space<vmem>>
        %dma_start3A_245 = tpu.memref_squeeze %dma_start3A_244 : memref<1x64x128xf32, #tpu.memory_space<vmem>> -> memref<64x128xf32, #tpu.memory_space<vmem>>
        %dma_start3A_246 = arith.constant 0 : i32
        %dma_start3A_247 = tpu.memref_slice %arg7[%add3A_241, %dma_start3A_246] : memref<56x64xi32, #tpu.memory_space<vmem>> -> memref<1x64xi32, #tpu.memory_space<vmem>>
        %dma_start3A_248 = tpu.memref_squeeze %dma_start3A_247 : memref<1x64xi32, #tpu.memory_space<vmem>> -> memref<64xi32, #tpu.memory_space<vmem>>
        %dma_start3A_249 = arith.constant 0 : i32
        %dma_start3A_250 = arith.constant 0 : i32
        %dma_start3A_251 = tpu.memref_slice %arg2[%dma_start3A_249, %dma_start3A_250] : memref<10000x128xf32, #tpu.memory_space<hbm>> -> memref<10000x128xf32, #tpu.memory_space<hbm>>
        tpu.enqueue_indirect_dma source(%dma_start3A_251 : memref<10000x128xf32, #tpu.memory_space<hbm>>) target(%dma_start3A_245 : memref<64x128xf32, #tpu.memory_space<vmem>>) offsets(%dma_start3A_248 : memref<64xi32, #tpu.memory_space<vmem>>) semaphore(%arg11 : memref<!tpu.dma_semaphore, #tpu.memory_space<semaphore_mem>>)
      } else {
      }
    }
    %scan3A_184 = arith.constant 50 : i32
    %dma_wait3A_185 = arith.constant 0 : i32
    %dma_wait3A_186 = arith.constant 0 : i32
    %dma_wait3A_187 = arith.constant 0 : i32
    %dma_wait3A_188 = arith.constant 0 : i32
    %dma_wait3A_189 = tpu.memref_slice %arg9[%dma_wait3A_185, %dma_wait3A_187, %dma_wait3A_188] : memref<4x64x128xf32, #tpu.memory_space<vmem>> -> memref<1x64x128xf32, #tpu.memory_space<vmem>>
    %dma_wait3A_190 = tpu.memref_squeeze %dma_wait3A_189 : memref<1x64x128xf32, #tpu.memory_space<vmem>> -> memref<64x128xf32, #tpu.memory_space<vmem>>
    %dma_wait3A_191 = arith.constant 0 : i32
    %dma_wait3A_192 = tpu.memref_slice %arg8[%dma_wait3A_186, %dma_wait3A_191] : memref<56x64xi32, #tpu.memory_space<vmem>> -> memref<1x64xi32, #tpu.memory_space<vmem>>
    %dma_wait3A_193 = tpu.memref_squeeze %dma_wait3A_192 : memref<1x64xi32, #tpu.memory_space<vmem>> -> memref<64xi32, #tpu.memory_space<vmem>>
    %dma_wait3A_194 = arith.constant 0 : i32
    %dma_wait3A_195 = arith.constant 0 : i32
    %dma_wait3A_196 = tpu.memref_slice %arg10[%dma_wait3A_194, %dma_wait3A_195] : memref<10240x128xf32, #tpu.memory_space<vmem_shared>> -> memref<10240x128xf32, #tpu.memory_space<vmem_shared>>
    tpu.wait_indirect_dma semaphore(%arg12 : memref<!tpu.dma_semaphore, #tpu.memory_space<semaphore_mem>>) src(%dma_wait3A_190 : memref<64x128xf32, #tpu.memory_space<vmem>>) dst(%dma_wait3A_196 : memref<10240x128xf32, #tpu.memory_space<vmem_shared>>)
    %barrier3A_197 = arith.constant 0 : index
    tpu.barrier barrier_id(%barrier3A_197)
    %mul3A_198 = arith.constant 3 : i32
    %mul3A_199 = arith.muli %arg0, %mul3A_198 : i32
    %add3A_200 = arith.constant 2 : i32
    %add3A_201 = arith.addi %mul3A_199, %add3A_200 : i32
    %mul3A_202 = arith.constant 10240 : i32
    %mul3A_203 = arith.muli %add3A_201, %mul3A_202 : i32
    %add3A_204 = arith.addi %mul3A_203, %mul3A_2 : i32
    "tpu.region"() ({
      %run_scoped3A_205 = tpu.sem_alloc : memref<!tpu.dma_semaphore, #tpu.memory_space<semaphore_mem>>
      %dma_start3A_206 = arith.constant 0 : i32
      %dma_start3A_207 = tpu.memref_slice %arg6[%add3A_204, %dma_start3A_206] : memref<61440x128xf32, #tpu.memory_space<hbm>> -> memref<640x128xf32, #tpu.memory_space<hbm>>
      %dma_start3A_208 = arith.constant 0 : i32
      %dma_start3A_209 = tpu.memref_slice %arg10[%mul3A_2, %dma_start3A_208] : memref<10240x128xf32, #tpu.memory_space<vmem_shared>> -> memref<640x128xf32, #tpu.memory_space<vmem_shared>>
      tpu.enqueue_dma source(%dma_start3A_209 : memref<640x128xf32, #tpu.memory_space<vmem_shared>>) target(%dma_start3A_207 : memref<640x128xf32, #tpu.memory_space<hbm>>) target_semaphore(%run_scoped3A_205 : memref<!tpu.dma_semaphore, #tpu.memory_space<semaphore_mem>>)
      %dma_wait3A_210 = arith.constant 0 : i32
      %dma_wait3A_211 = tpu.memref_slice %arg6[%add3A_204, %dma_wait3A_210] : memref<61440x128xf32, #tpu.memory_space<hbm>> -> memref<640x128xf32, #tpu.memory_space<hbm>>
      %dma_wait3A_212 = arith.constant 0 : i32
      %dma_wait3A_213 = tpu.memref_slice %arg10[%mul3A_2, %dma_wait3A_212] : memref<10240x128xf32, #tpu.memory_space<vmem_shared>> -> memref<640x128xf32, #tpu.memory_space<vmem_shared>>
      tpu.wait_dma2 semaphore(%run_scoped3A_205 : memref<!tpu.dma_semaphore, #tpu.memory_space<semaphore_mem>>) src(%dma_wait3A_213 : memref<640x128xf32, #tpu.memory_space<vmem_shared>>) dst(%dma_wait3A_211 : memref<640x128xf32, #tpu.memory_space<hbm>>)
      tpu.yield
    }) : () -> ()
    return
  }
}

module attributes {stable_mosaic.version = 14 : i64} {
  func.func @body(%arg0: i32, %arg1: memref<6x1024x128xf32, #tpu.memory_space<vmem>>, %arg2: memref<3x128x128xf32, #tpu.memory_space<vmem>>, %arg3: memref<8x128xf32, #tpu.memory_space<vmem>>, %arg4: memref<1024x128xf32, #tpu.memory_space<vmem>>) attributes {dimension_semantics = [#tpu.dimension_semantics<arbitrary>], iteration_bounds = array<i64: 10>, scalar_prefetch = 0 : i64, scratch_operands = 0 : i64, tpu.core_type = #tpu.core_type<tc>, window_params = [{transform_indices = @transform_0, window_bounds = array<i64: 6, 1024, 128>}, {pipeline_mode = #tpu.pipeline_mode<synchronous>, transform_indices = @transform_1, window_bounds = array<i64: 3, 128, 128>}, {pipeline_mode = #tpu.pipeline_mode<synchronous>, transform_indices = @transform_2, window_bounds = array<i64: 8, 128>}, {transform_indices = @transform_3, window_bounds = array<i64: 1024, 128>}]} {
    %broadcast_in_dim3A = arith.constant 0.000000e+00 : f32
    %broadcast_in_dim3A_0 = vector.broadcast %broadcast_in_dim3A : f32 to vector<1024x128xf32>
    %get3A = arith.constant 0 : index
    %get3A_1 = arith.constant 0 : index
    %get3A_2 = vector.load %arg3[%get3A, %get3A_1] : memref<8x128xf32, #tpu.memory_space<vmem>>, vector<1x128xf32>
    %get3A_3 = vector.shape_cast %get3A_2 : vector<1x128xf32> to vector<128xf32>
    %broadcast_in_dim3A_4 = vector.shape_cast %get3A_3 : vector<128xf32> to vector<1x128xf32>
    %add3A = vector.broadcast %broadcast_in_dim3A_4 : vector<1x128xf32> to vector<1024x128xf32>
    %add3A_5 = arith.addf %broadcast_in_dim3A_0, %add3A : vector<1024x128xf32>
    %get3A_6 = arith.constant 0 : index
    %get3A_7 = arith.constant 0 : index
    %get3A_8 = arith.constant 0 : index
    %get3A_9 = vector.load %arg1[%get3A_6, %get3A_7, %get3A_8] : memref<6x1024x128xf32, #tpu.memory_space<vmem>>, vector<1x1024x128xf32>
    %get3A_10 = vector.shape_cast %get3A_9 : vector<1x1024x128xf32> to vector<1024x128xf32>
    %get3A_11 = arith.constant 0 : index
    %get3A_12 = arith.constant 0 : index
    %get3A_13 = arith.constant 0 : index
    %get3A_14 = vector.load %arg2[%get3A_11, %get3A_12, %get3A_13] : memref<3x128x128xf32, #tpu.memory_space<vmem>>, vector<1x128x128xf32>
    %get3A_15 = vector.shape_cast %get3A_14 : vector<1x128x128xf32> to vector<128x128xf32>
    %dot_general3A = arith.constant dense<0.000000e+00> : vector<1024x128xf32>
    %dot_general3A_16 = tpu.matmul %get3A_10, %get3A_15, %dot_general3A {dimension_numbers = #tpu.dot_dimension_numbers<[1], [0], [0], [1], [0, 0, 1, 1], [], []>, transpose_lhs_hint = false} : vector<1024x128xf32>, vector<128x128xf32>, vector<1024x128xf32> -> vector<1024x128xf32>
    %add3A_17 = arith.addf %add3A_5, %dot_general3A_16 : vector<1024x128xf32>
    %get3A_18 = arith.constant 1 : index
    %get3A_19 = arith.constant 0 : index
    %get3A_20 = arith.constant 0 : index
    %get3A_21 = vector.load %arg1[%get3A_18, %get3A_19, %get3A_20] : memref<6x1024x128xf32, #tpu.memory_space<vmem>>, vector<1x1024x128xf32>
    %get3A_22 = vector.shape_cast %get3A_21 : vector<1x1024x128xf32> to vector<1024x128xf32>
    %get3A_23 = arith.constant 1 : index
    %get3A_24 = arith.constant 0 : index
    %get3A_25 = arith.constant 0 : index
    %get3A_26 = vector.load %arg2[%get3A_23, %get3A_24, %get3A_25] : memref<3x128x128xf32, #tpu.memory_space<vmem>>, vector<1x128x128xf32>
    %get3A_27 = vector.shape_cast %get3A_26 : vector<1x128x128xf32> to vector<128x128xf32>
    %dot_general3A_28 = arith.constant dense<0.000000e+00> : vector<1024x128xf32>
    %dot_general3A_29 = tpu.matmul %get3A_22, %get3A_27, %dot_general3A_28 {dimension_numbers = #tpu.dot_dimension_numbers<[1], [0], [0], [1], [0, 0, 1, 1], [], []>, transpose_lhs_hint = false} : vector<1024x128xf32>, vector<128x128xf32>, vector<1024x128xf32> -> vector<1024x128xf32>
    %add3A_30 = arith.addf %add3A_17, %dot_general3A_29 : vector<1024x128xf32>
    %get3A_31 = arith.constant 2 : index
    %get3A_32 = arith.constant 0 : index
    %get3A_33 = arith.constant 0 : index
    %get3A_34 = vector.load %arg1[%get3A_31, %get3A_32, %get3A_33] : memref<6x1024x128xf32, #tpu.memory_space<vmem>>, vector<1x1024x128xf32>
    %get3A_35 = vector.shape_cast %get3A_34 : vector<1x1024x128xf32> to vector<1024x128xf32>
    %get3A_36 = arith.constant 2 : index
    %get3A_37 = arith.constant 0 : index
    %get3A_38 = arith.constant 0 : index
    %get3A_39 = vector.load %arg2[%get3A_36, %get3A_37, %get3A_38] : memref<3x128x128xf32, #tpu.memory_space<vmem>>, vector<1x128x128xf32>
    %get3A_40 = vector.shape_cast %get3A_39 : vector<1x128x128xf32> to vector<128x128xf32>
    %dot_general3A_41 = arith.constant dense<0.000000e+00> : vector<1024x128xf32>
    %dot_general3A_42 = tpu.matmul %get3A_35, %get3A_40, %dot_general3A_41 {dimension_numbers = #tpu.dot_dimension_numbers<[1], [0], [0], [1], [0, 0, 1, 1], [], []>, transpose_lhs_hint = false} : vector<1024x128xf32>, vector<128x128xf32>, vector<1024x128xf32> -> vector<1024x128xf32>
    %add3A_43 = arith.addf %add3A_30, %dot_general3A_42 : vector<1024x128xf32>
    %get3A_44 = arith.constant 3 : index
    %get3A_45 = arith.constant 0 : index
    %get3A_46 = arith.constant 0 : index
    %get3A_47 = vector.load %arg1[%get3A_44, %get3A_45, %get3A_46] : memref<6x1024x128xf32, #tpu.memory_space<vmem>>, vector<1x1024x128xf32>
    %get3A_48 = vector.shape_cast %get3A_47 : vector<1x1024x128xf32> to vector<1024x128xf32>
    %get3A_49 = arith.constant 0 : index
    %get3A_50 = arith.constant 0 : index
    %get3A_51 = arith.constant 0 : index
    %get3A_52 = vector.load %arg2[%get3A_49, %get3A_50, %get3A_51] : memref<3x128x128xf32, #tpu.memory_space<vmem>>, vector<1x128x128xf32>
    %get3A_53 = vector.shape_cast %get3A_52 : vector<1x128x128xf32> to vector<128x128xf32>
    %dot_general3A_54 = arith.constant dense<0.000000e+00> : vector<1024x128xf32>
    %dot_general3A_55 = tpu.matmul %get3A_48, %get3A_53, %dot_general3A_54 {dimension_numbers = #tpu.dot_dimension_numbers<[1], [0], [0], [1], [0, 0, 1, 1], [], []>, transpose_lhs_hint = false} : vector<1024x128xf32>, vector<128x128xf32>, vector<1024x128xf32> -> vector<1024x128xf32>
    %add3A_56 = arith.addf %add3A_43, %dot_general3A_55 : vector<1024x128xf32>
    %get3A_57 = arith.constant 4 : index
    %get3A_58 = arith.constant 0 : index
    %get3A_59 = arith.constant 0 : index
    %get3A_60 = vector.load %arg1[%get3A_57, %get3A_58, %get3A_59] : memref<6x1024x128xf32, #tpu.memory_space<vmem>>, vector<1x1024x128xf32>
    %get3A_61 = vector.shape_cast %get3A_60 : vector<1x1024x128xf32> to vector<1024x128xf32>
    %get3A_62 = arith.constant 1 : index
    %get3A_63 = arith.constant 0 : index
    %get3A_64 = arith.constant 0 : index
    %get3A_65 = vector.load %arg2[%get3A_62, %get3A_63, %get3A_64] : memref<3x128x128xf32, #tpu.memory_space<vmem>>, vector<1x128x128xf32>
    %get3A_66 = vector.shape_cast %get3A_65 : vector<1x128x128xf32> to vector<128x128xf32>
    %dot_general3A_67 = arith.constant dense<0.000000e+00> : vector<1024x128xf32>
    %dot_general3A_68 = tpu.matmul %get3A_61, %get3A_66, %dot_general3A_67 {dimension_numbers = #tpu.dot_dimension_numbers<[1], [0], [0], [1], [0, 0, 1, 1], [], []>, transpose_lhs_hint = false} : vector<1024x128xf32>, vector<128x128xf32>, vector<1024x128xf32> -> vector<1024x128xf32>
    %add3A_69 = arith.addf %add3A_56, %dot_general3A_68 : vector<1024x128xf32>
    %get3A_70 = arith.constant 5 : index
    %get3A_71 = arith.constant 0 : index
    %get3A_72 = arith.constant 0 : index
    %get3A_73 = vector.load %arg1[%get3A_70, %get3A_71, %get3A_72] : memref<6x1024x128xf32, #tpu.memory_space<vmem>>, vector<1x1024x128xf32>
    %get3A_74 = vector.shape_cast %get3A_73 : vector<1x1024x128xf32> to vector<1024x128xf32>
    %get3A_75 = arith.constant 2 : index
    %get3A_76 = arith.constant 0 : index
    %get3A_77 = arith.constant 0 : index
    %get3A_78 = vector.load %arg2[%get3A_75, %get3A_76, %get3A_77] : memref<3x128x128xf32, #tpu.memory_space<vmem>>, vector<1x128x128xf32>
    %get3A_79 = vector.shape_cast %get3A_78 : vector<1x128x128xf32> to vector<128x128xf32>
    %dot_general3A_80 = arith.constant dense<0.000000e+00> : vector<1024x128xf32>
    %dot_general3A_81 = tpu.matmul %get3A_74, %get3A_79, %dot_general3A_80 {dimension_numbers = #tpu.dot_dimension_numbers<[1], [0], [0], [1], [0, 0, 1, 1], [], []>, transpose_lhs_hint = false} : vector<1024x128xf32>, vector<128x128xf32>, vector<1024x128xf32> -> vector<1024x128xf32>
    %add3A_82 = arith.addf %add3A_69, %dot_general3A_81 : vector<1024x128xf32>
    %swap3A = arith.constant 0 : index
    %swap3A_83 = arith.constant 0 : index
    %swap3A_84 = vector.load %arg4[%swap3A, %swap3A_83] : memref<1024x128xf32, #tpu.memory_space<vmem>>, vector<1024x128xf32>
    tpu.vector_store %arg4[%swap3A, %swap3A_83], %add3A_82 {strides = array<i32>} : memref<1024x128xf32, #tpu.memory_space<vmem>>, vector<1024x128xf32>,
    return
  }
  func.func @transform_0(%arg0: i32) -> (i32, i32, i32) {
    %c0_i32 = arith.constant 0 : i32
    %c0_i32_0 = arith.constant 0 : i32
    %c0_i32_1 = arith.constant 0 : i32
    return %c0_i32, %arg0, %c0_i32_0 : i32, i32, i32
  }
  func.func @transform_1(%arg0: i32) -> (i32, i32, i32) {
    %c0_i32 = arith.constant 0 : i32
    %c0_i32_0 = arith.constant 0 : i32
    %c0_i32_1 = arith.constant 0 : i32
    %c0_i32_2 = arith.constant 0 : i32
    return %c0_i32, %c0_i32_0, %c0_i32_1 : i32, i32, i32
  }
  func.func @transform_2(%arg0: i32) -> (i32, i32) {
    %c0_i32 = arith.constant 0 : i32
    %c0_i32_0 = arith.constant 0 : i32
    %c0_i32_1 = arith.constant 0 : i32
    return %c0_i32, %c0_i32_0 : i32, i32
  }
  func.func @transform_3(%arg0: i32) -> (i32, i32) {
    %c0_i32 = arith.constant 0 : i32
    %c0_i32_0 = arith.constant 0 : i32
    return %arg0, %c0_i32 : i32, i32
  }
}

</mosaic_0001>

<sc_bundles>
// kernel: kernel.4.cloned.1.call-start
scs
__scs_entry_jumppad:
0x0: {  	(pc) =	sbr.rel $0x88, $3  }
0x1: {  	(tag) =	ssettag $0x0;
	lr =	simm.s32 $0x1  }
0x2: {  	[smem:$0x3F9B] =	sst lr;
	_ =	strace $0xD0000000  }
0x3: {  	_ = 	snop  }
0x4: {  	_ = 	snop  }
0x5: {  	_ = 	snop  }
0x6: {  	_ = 	snop  }
0x7: {  	_ = 	snop  }
__scs_overlays_trampoline_lowered:
0x8: {  	[smem:$0x3FAA] =	sst s0  }
0x9: {  	[smem:$0x3FAB] =	sst s1  }
0xa: {  	[smem:$0x3FAC] =	sst s2  }
0xb: {  	[smem:$0x3FAD] =	sst s3  }
0xc: {  	[smem:$0x3FAE] =	sst s4  }
0xd: {  	[smem:$0x3FAF] =	sst s5  }
0xe: {  	[smem:$0x3FB0] =	sst s6  }
0xf: {  	[smem:$0x3FB1] =	sst s7  }
0x10: {  	[smem:$0x3FB2] =	sst s8  }
0x11: {  	[smem:$0x3FB3] =	sst s9;
	s0 =	simm.s32 @!p0 $0x0  }
0x12: {  	s1 =	sld [smem:$0x3F99];
	s0 =	simm.s32 @p0 $0x1  }
0x13: {  	[smem:$0x3FB4] =	sst s0;
	s0 =	simm.s32 @!p1 $0x0  }
0x14: {  	s2 =	sld [smem:$0x3F98];
	s0 =	simm.s32 @p1 $0x1  }
0x15: {  	[smem:$0x3FB5] =	sst s0;
	s0 =	simm.s32 @!p2 $0x0  }
0x16: {  	s3 =	sld [smem:$0x3FDB];
	s0 =	simm.s32 @p2 $0x1  }
0x17: {  	s4 =	simm.s32 $0x1BF5;
	[smem:$0x3FB7] =	sst s0  }
0x18: {  	s0 =	sld [smem:$0x3F9A];
	_ =	swait.ge [sflag:s4], $0x0  }
0x19: {  	s7 =	sld [smem:$0x3F9B]  }
0x1a: {  	s8 =	sadd.s32 $0xFFFFE003, lr  }
0x1b: {  	s9 =	sadd.s32 $0xFFFFFEF7, lr;
	s5 =	simm.s32 $0xFFFFFFFF;
	p2 =	slt.u32 s8, $0xFFFFF086  }
0x1c: {  	p1 =	slt.u32 s9, $0xF7A;
	s5 =	simm.s32 @!p2 $0x0  }
0x1d: {  	s5 =	simm.s32 @p1 $0x1;
	p0 =	seq.s32 s7, s2  }
0x1e: {  	s7 =	smul.u32 @!p0 $0xF7A, s2;
	p2 =	seq.s32 @!p0 s5, $0x0  }
0x1f: {  	s9 =	smul.u32 $0xF7A, s1;
	s8 =	simm.s32 @!p0 $0x1BF5;
	p2 =	por !p2, p0  }
0x20: {  	[sflag:s8] =	ssyncset.s32 @!p0 $0xFFFFF086;
	s6 =	sadd.s32 @!p0 s3, s7;
	s7 =	simm.s32 @!p0 $0x108  }
0x21: {  	s3 =	sadd.s32 s3, s9;
	s6 =	sadd.s32 @!p0 $0x88, s6;
	s7 =	simm.s32 @p2 $0x1082  }
0x22: {  	[simem:s7], [sflag:s8] =	dma.local @!p0 [hbm:s6], $0xF7A  }
0x23: {  	s9 =	sor.u32 $0xD0000000, s2;
	s6 =	simm.s32 $0x108;
	_ =	swait.ge @!p0 [sflag:s8], $0x0  }
0x24: {  	s3 =	sadd.s32 $0x88, s3;
	s6 =	simm.s32 @!p1 $0x1082;
	[sflag:s4] =	ssyncset.s32 $0xFFFFF086  }
0x25: {  	[simem:s6], [sflag:s4] =	dma.local [hbm:s3], $0xF7A  }
0x26: {  	[smem:$0x3F9B] =	sst s1;
	(tag) =	ssettag s2;
	_ =	strace s9  }
0x27: {  	s1 =	sld [smem:$0x3FAB]  }
0x28: {  	s2 =	sld [smem:$0x3FAC]  }
0x29: {  	s4 =	sld [smem:$0x3FAE]  }
0x2a: {  	p0 =	seq.s32 s5, $0x0;
	s5 =	sld [smem:$0x3FAF]  }
0x2b: {  	s6 =	sld [smem:$0x3FB0]  }
0x2c: {  	s7 =	sld [smem:$0x3FB1]  }
0x2d: {  	s3 =	simm.s32 $0x108;
	s8 =	sld [smem:$0x3FB2]  }
0x2e: {  	s3 =	simm.s32 @!p0 $0x1082;
	s9 =	sld [smem:$0x3FB3]  }
0x2f: {  	lr =	sadd.s32 s0, s3;
	s0 =	sld [smem:$0x3FAA]  }
0x30: {  	s3 =	sld [smem:$0x3FAD]  }
0x31: {  	[smem:$0x3FB6] =	sst s10  }
0x32: {  	s10 =	sld [smem:$0x3FB4];
	_ =	sdelay $0x3  }
0x33: {  	p0 =	seq.s32 s10, $0x1;
	s10 =	sld [smem:$0x3FB6];
	_ =	sdelay $0x3  }
0x34: {  	[smem:$0x3FB6] =	sst s10  }
0x35: {  	s10 =	sld [smem:$0x3FB5];
	_ =	sdelay $0x3  }
0x36: {  	p1 =	seq.s32 s10, $0x1;
	s10 =	sld [smem:$0x3FB6];
	_ =	sdelay $0x3  }
0x37: {  	[smem:$0x3FB6] =	sst s10  }
0x38: {  	s10 =	sld [smem:$0x3FB7]  }
0x39: {  	_ = 	snop;
	(pc) =	sbr.ind lr, $3  }
0x3a: {  	_ = 	snop  }
0x3b: {  	_ = 	snop  }
0x3c: {  	p2 =	seq.s32 s10, $0x1;
	s10 =	sld [smem:$0x3FB6]  }
0x3d: {  	_ =	shalt  }
0x3e: {  	_ =	shalt  }
0x3f: {  	_ =	shalt  }
0x40: {  	_ =	shalt  }
0x41: {  	_ =	shalt  }
0x42: {  	_ =	shalt  }
0x43: {  	_ =	shalt  }
0x44: {  	_ =	shalt  }
0x45: {  	_ =	shalt  }
0x46: {  	_ =	shalt  }
0x47: {  	_ =	shalt  }
0x48: {  	_ =	shalt  }
0x49: {  	_ =	shalt  }
0x4a: {  	_ =	shalt  }
0x4b: {  	_ =	shalt  }
0x4c: {  	_ =	shalt  }
0x4d: {  	_ =	shalt  }
0x4e: {  	_ =	shalt  }
0x4f: {  	_ =	shalt  }
0x50: {  	_ =	shalt  }
0x51: {  	_ =	shalt  }
0x52: {  	_ =	shalt  }
0x53: {  	_ =	shalt  }
0x54: {  	_ =	shalt  }
0x55: {  	_ =	shalt  }
0x56: {  	_ =	shalt  }
0x57: {  	_ =	shalt  }
0x58: {  	_ =	shalt  }
0x59: {  	_ =	shalt  }
0x5a: {  	_ =	shalt  }
0x5b: {  	_ =	shalt  }
0x5c: {  	_ =	shalt  }
0x5d: {  	_ =	shalt  }
0x5e: {  	_ =	shalt  }
0x5f: {  	_ =	shalt  }
0x60: {  	_ =	shalt  }
0x61: {  	_ =	shalt  }
0x62: {  	_ =	shalt  }
0x63: {  	_ =	shalt  }
0x64: {  	_ =	shalt  }
0x65: {  	_ =	shalt  }
0x66: {  	_ =	shalt  }
0x67: {  	_ =	shalt  }
0x68: {  	_ =	shalt  }
0x69: {  	_ =	shalt  }
0x6a: {  	_ =	shalt  }
0x6b: {  	_ =	shalt  }
0x6c: {  	_ =	shalt  }
0x6d: {  	_ =	shalt  }
0x6e: {  	_ =	shalt  }
0x6f: {  	_ =	shalt  }
0x70: {  	_ =	shalt  }
0x71: {  	_ =	shalt  }
0x72: {  	_ =	shalt  }
0x73: {  	_ =	shalt  }
0x74: {  	_ =	shalt  }
0x75: {  	_ =	shalt  }
0x76: {  	_ =	shalt  }
0x77: {  	_ =	shalt  }
0x78: {  	_ =	shalt  }
0x79: {  	_ =	shalt  }
0x7a: {  	_ =	shalt  }
0x7b: {  	_ =	shalt  }
0x7c: {  	_ =	shalt  }
0x7d: {  	_ =	shalt  }
0x7e: {  	_ =	shalt  }
0x7f: {  	_ =	shalt  }
0x80: {  	_ =	shalt  }
0x81: {  	_ =	shalt  }
0x82: {  	_ =	shalt  }
0x83: {  	_ =	shalt  }
0x84: {  	_ =	shalt  }
0x85: {  	_ =	shalt  }
0x86: {  	_ =	shalt  }
0x87: {  	_ =	shalt  }
.Lfunc_end0:
.L_simem_size_0:
called_computation_lowered:
.L_overlay_start_0:
0x88: {  	s2 =	sld [smem:$0x3FD9]  }
0x89: {  	s3 =	sld [smem:$0x3FFE];
	_ =	sdelay $0x1  }
0x8a: {  	s1 =	srdreg.scid  }
0x8b: {  	s0 =	sand.u32 $0x1, s1  }
0x8c: {  	s17 =	sshll.u32 s0, $0xA;
	s2 =	sadd.s32 s3, s2  }
0x8d: {  	s2 =	sadd.s32 s2, s17  }
0x8e: {  	[smem:$0x3FC2] =	sst s2  }
0x8f: {  	_ = 	snop  }
0x90: {  	s2 =	sld [smem:$0x3FC9]  }
0x91: {  	s18 =	sld [smem:$0x3FD0];
	(tm) =	ssettm $0x1  }
0x92: {  	s4 =	sld [smem:$0x3FFB];
	_ =	sdelay $0x3  }
0x93: {  	_ =	strace s4  }
0x94: {  	s4 =	sld [smem:$0x3FFC];
	_ =	sdelay $0x3  }
0x95: {  	_ =	strace s4  }
0x96: {  	s4 =	sld [smem:$0x3FFD];
	_ =	sdelay $0x3  }
0x97: {  	_ =	strace s4  }
0x98: {  	_ =	strace $0x8FFFFFFF  }
0x99: {  	s19 =	sld [smem:$0x3FDB];
	_ =	sdelay $0x1  }
0x9a: {  	s5 =	simm.s32 $_scs_section_size  }
0x9b: {  	s6 =	simm.s32 $_size__tile_overlayer_lowered;
	s7 =	simm.s32 $_tile_overlayer_lowered  }
0x9c: {  	s22 =	simm.s32 $0x1BFF;
	s21 =	sshll.u32 s7, $0x1;
	s4 =	sadd.s32 s5, s19  }
0x9d: {  	s8 =	simm.s32 $0x0;
	s20 =	sshll.u32 s6, $0x1;
	s6 =	sadd.s32 s21, s4  }
0x9e: {  	[timem:s8], [sflag:s22] =	dma.local [hbm:s6], s20  }
0x9f: {  	_ =	swait.ge [sflag:s22], s20  }
0xa0: {  	s5 =	ssub.s32 $0x0, s20;
	[sflag:s22] =	ssyncset.done $0x0  }
0xa1: {  	[sflag:s22] =	ssyncadd.s32 s5;
	_ =	sdelay $0x1  }
0xa2: {  	s23 =	simm.s32 $0x1B8B  }
0xa3: {  	_ =	swait.ge [sflag:s23], $0x1  }
0xa4: {  	[sflag:s23] =	ssyncset.done $0x0  }
0xa5: {  	s25 =	simm.s32 $0x1B8E;
	s24 =	sld [smem:$0x3FFE];
	[sflag:s23] =	ssyncadd.s32 $0xFFFFFFFF  }
0xa6: {  	s26 =	simm.s32 $execute0_lowered;
	[smem:$0x3FD2] =	sst s25  }
0xa7: {  	s6 =	sshll.u32 s26, $0x1;
	_ =	strace $0x80000046;
	[dreg:$0x1] =	wrdreg $0xFFFFFFFF  }
0xa8: {  	s28 =	simm.s32 $_size_execute0_lowered;
	s4 =	sadd.s32 s4, s6;
	[dreg:$0x0] =	wrdreg $0x0  }
0xa9: {  	s6 =	sshll.u32 s28, $0x1;
	[dreg:$0x2] =	wrdreg s4  }
0xaa: {  	[dreg:$0x3] =	wrdreg s6  }
0xab: {  	[dreg:$0x4] =	wrdreg $0xC0  }
0xac: {  	_ =	task [dreg:s8], $0x5FFFF  }
0xad: {  	[dreg:$0x1] =	wrdreg $0xFFFFFFFF  }
0xae: {  	[dreg:$0x0] =	wrdreg $0x60  }
0xaf: {  	[dreg:$0x2] =	wrdreg s2  }
0xb0: {  	[dreg:$0x3] =	wrdreg s18  }
0xb1: {  	[dreg:$0x4] =	wrdreg s24  }
0xb2: {  	[dreg:$0x5] =	wrdreg $0xB8000  }
0xb3: {  	[dreg:$0x6] =	wrdreg $0x9  }
0xb4: {  	_ =	task.clear_ibuf [dreg:s8], $0x7FFFF;
	_ =	strace $0x90000046  }
0xb5: {  	s29 =	simm.s32 $0x9;
	_ =	strace $0x80000048  }
0xb6: {  	_ =	swait.ge [sflag:s29], $0x1  }
0xb7: {  	[sflag:s29] =	ssyncadd.s32 $0xFFFFFFFF  }
0xb8: {  	_ =	strace $0x90000048  }
0xb9: {  	_ =	sfence  }
0xba: {  	s30 =	sld [smem:$0x0];
	_ =	sdelay $0x2  }
0xbb: {  	s31 =	sshll.u32 s1, $0xD;
	s1 =	sshrl.u32 s1, $0x2  }
0xbc: {  	s3 =	sand.u32 $0x4000, s31;
	s1 =	sadd.s32 s1, s30  }
0xbd: {  	s0 =	sor.u32 s3, s0;
	s1 =	sshll.u32 s1, $0x11  }
0xbe: {  	s0 =	sor.u32 s1, s0  }
0xbf: {  	s0 =	sadd.s32 $0x8F2B, s0  }
0xc0: {  	[sflag:s0] =	ssyncadd.remote.s32 $0x1  }
0xc1: {  	_ =	sfence.sel $0xFFFF  }
0xc2: {  	[dreg:$0x0] =	wrdreg $0xFFFFFFFF;
	(pc) =	sbr.abs _section_cstart, $3  }
0xc3: {  	[dreg:$0x1] =	wrdreg $0xFFFFFFFF  }
0xc4: {  	_ =	task.clear_ibuf [dreg:s8], $0x2FFFF;
	_ =	strace $0x9FFFFFFF  }
0xc5: {  	(tm) =	ssettm $0x7FFFFFFF  }
tec
execute0_lowered:
.L_overlay_start_1:
0x0: {  	(tag) =	ssettag $0x1  }
0x1: {  	s1 =	rddreg [dreg:$0x0]  }
0x2: {  	s0 =	rddreg [dreg:$0x1]  }
0x3: {  	s2 =	rddreg [dreg:$0x2]  }
0x4: {  	s3 =	rddreg [dreg:$0x3]  }
0x5: {  	s5 =	srdreg.scid;
	s11 =	stileid.u32  }
0x6: {  	s4 =	simm.s32 $0x0;
	s16 =	simm.s32 $0x3;
	s17 =	simm.s32 $0x1C00  }
0x7: {  	s28 =	simm.s32 $0x9800;
	s29 =	simm.s32 $0x1;
	s30 =	simm.s32 $0x2  }
0x8: {  	s31 =	simm.s32 $0x0;
	s6 =	sand.u32 $0x1, s5;
	s7 =	smul.u32 $0x280, s11  }
0x9: {  	[smem:$0x7FF] =	sst s4;
	s9 =	sshll.u32 s11, $0x1;
	s10 =	smul.u32 $0x50000, s11  }
0xa: {  	s5 =	sadd.s32 $0x15000, s2;
	s26 =	sshll.u32 s11, $0x6;
	s8 =	smul.u32 $0x7800, s6  }
0xb: {  	_ =	strace $0x80000047;
	s9 =	sor.u32 s6, s9;
	s6 =	ssub.s32 $0x2, s6  }
0xc: {  	s18 =	smul.u32 $0x1C00, s9;
	s19 =	sshrl.u32 s6, $0x1;
	s22 =	sshrl.u32 s10, $0x2  }
0xd: {  	s7 =	sadd.s32 s7, s8;
	s6 =	ssub.s32 s6, s19;
	s9 =	sadd.s32 s22, s3  }
0xe: {  	s22 =	simm.s32 $0x80;
	s7 =	sshll.u32 s7, $0x4;
	s8 =	sshrl.u32 s18, $0x3  }
0xf: {  	s15 =	smax.u32 s6, $0x1;
	s18 =	sor.u32 $0x1C03, s26;
	s19 =	sshrl.u32 s9, $0x3  }
0x10: {  	s26 =	simm.s32 $0x180;
	s7 =	sadd.s32 s7, s2;
	s20 =	sadd.s32 s0, s8  }
0x11: {  	s21 =	sadd.s32 s2, s8;
	s24 =	sadd.s32 $0x7000, s8;
	[dreg:$0x5] =	wrdreg s20  }
0x12: {  	s8 =	sadd.s32 $0xE000, s8;
	[dreg:$0x6] =	wrdreg s21;
	s23 =	sadd.s32 $0x17800, s7  }
0x13: {  	s12 =	sadd.s32 s0, s24;
	s10 =	sadd.s32 s2, s24;
	[dreg:$0x7] =	wrdreg s23  }
0x14: {  	s25 =	sadd.s32 $0x3F800, s7;
	s13 =	sadd.s32 s2, s8;
	[dreg:$0x8] =	wrdreg s12  }
0x15: {  	s14 =	sadd.s32 $0x67800, s7;
	s20 =	simm.s32 $0x40;
	[dreg:$0x9] =	wrdreg s10  }
0x16: {  	s21 =	simm.s32 $0x3800;
	s24 =	simm.s32 $0x100;
	[dreg:$0xa] =	wrdreg s25  }
0x17: {  	s12 =	sadd.s32 s0, s8;
	s23 =	simm.s32 $0x5800;
	s25 =	simm.s32 $0x7800  }
.LBB2_1:
0x18: {  	s0 =	rddreg [dreg:$0x5]  }
0x19: {  	[tilespmem:s4], [sflag:$0x3] =	stream.linear.gather [hbm4b:s0+s4], $0x1C00, $0x38;
	[tilespmem:$0x1F800] =	vst v63  }
0x1a: {  	_ =	swait.ge [sflag:s16], $0x1C00  }
0x1b: {  	[sflag:s16] =	ssyncset.done $0x0  }
0x1c: {  	s11 =	rddreg [dreg:$0x6];
	[sflag:s16] =	ssyncadd.s32 $0xFFFFE400  }
0x1d: {  	[tilespmem:s17], [sflag:$0x3] =	stream.linear.gather [hbm4b:s11+s4], $0x1C00, $0x38;
	[tilespmem:$0x1F800] =	vst v63  }
0x1e: {  	_ =	swait.ge [sflag:s16], $0x1C00  }
0x1f: {  	[sflag:s16] =	ssyncset.done $0x0  }
0x20: {  	[sflag:s16] =	ssyncadd.s32 $0xFFFFE400  }
0x21: {  	[spmem:s19], [sflag:s18] =	dma.local [hbm:s5], $0x2800  }
0x22: {  	_ =	swait.ge [sflag:s16], $0x2800  }
0x23: {  	[sflag:s16] =	ssyncset.done $0x0  }
0x24: {  	[sflag:s16] =	ssyncadd.s32 $0xFFFFD800  }
0x25: {  	[bflag:$0x0] =	sbarrier.arrive $0xFFFF  }
0x26: {  	[tilespmem:s21], [sflag:$0x1] =	stream.indirect.gather [hbm4b:s1+s20], $0x80, s4, s20, $0xb8;
	[tilespmem:$0x1F800] =	vst v63  }
0x27: {  	_ = 	snop  }
0x28: {  	[tilespmem:s23], [sflag:$0x1] =	stream.indirect.gather [hbm4b:s1+s20], $0x80, s22, s20, $0xb8;
	[tilespmem:$0x1F800] =	vst v63  }
0x29: {  	_ = 	snop  }
0x2a: {  	[tilespmem:s25], [sflag:$0x1] =	stream.indirect.gather [hbm4b:s1+s20], $0x80, s24, s20, $0xb8;
	[tilespmem:$0x1F800] =	vst v63  }
0x2b: {  	_ =	swait.ge [sflag:s29], $0x2000  }
0x2c: {  	[sflag:s29] =	ssyncset.done $0x0  }
0x2d: {  	s7 =	simm.s32 $0x20000;
	[sflag:s29] =	ssyncadd.s32 $0xFFFFE000  }
0x2e: {  	[spmem:s3] =	stream.indirect.scatter.add.f32 [tilespmem:s21], [sflag:$0x2], $0x80, s17, s20, $0xb8;
	[tilespmem:$0x1F800] =	vst v63  }
0x2f: {  	s2 =	simm.s32 $0x8000;
	s8 =	simm.s32 $0x1C80;
	p0 =	por $0x0, $0x0  }
0x30: {  	[tilespmem:s28], [sflag:$0x1] =	stream.indirect.gather [hbm4b:s1+s20], $0x80, s26, s20, $0xb8;
	[tilespmem:$0x1F800] =	vst v63  }
0x31: {  	s0 =	simm.s32 $0x200;
	s6 =	sand.u32 $0x18000, s2;
	_ =	swait.ge [sflag:s29], $0x2000  }
0x32: {  	s2 =	simm.s32 $0x2;
	s9 =	sshrl.u32 s6, $0x2;
	[sflag:s29] =	ssyncset.done $0x0  }
0x33: {  	s10 =	simm.s32 @!p0 $0x40;
	s9 =	sadd.s32 $0x3800, s9;
	[sflag:s29] =	ssyncadd.s32 $0xFFFFE000  }
0x34: {  	[spmem:s3] =	stream.indirect.scatter.add.f32 [tilespmem:s9], [sflag:$0x2], $0x80, s8, s20, $0xb8;
	[tilespmem:$0x1F800] =	vst v63  }
0x35: {  	s6 =	simm.s32 $0x1D00;
	s8 =	sand.u32 @!p0 $0x18000, s7;
	_ =	swait.ge [sflag:s30], $0x2000  }
0x36: {  	s7 =	simm.s32 $0x280;
	s9 =	sshrl.u32 @!p0 s8, $0x2;
	[sflag:s30] =	ssyncset.done $0x0  }
0x37: {  	s8 =	simm.s32 $0x28000;
	s9 =	sadd.s32 @!p0 $0x3800, s9;
	[sflag:s30] =	ssyncadd.s32 $0xFFFFE000  }
.LBB2_2:
0x38: {  	[tilespmem:s9], [sflag:$0x1] =	stream.indirect.gather @!p0 [hbm4b:s1+s10], $0x80, s0, s10, $0xb8;
	[tilespmem:$0x1F800] =	vst v63  }
0x39: {  	s9 =	smov.u32 s2;
	s10 =	smov.u32 s6;
	s0 =	smov.u32 s7  }
0x3a: {  	s11 =	sadd.s32 $0xFFFE8000, s8;
	s2 =	sadd.s32 $0x1, s2;
	_ =	swait.ge [sflag:s29], $0x2000  }
0x3b: {  	s11 =	sand.u32 $0x18000, s11;
	p1 =	sne.s32 s2, $0x32;
	[sflag:s29] =	ssyncset.done $0x0  }
0x3c: {  	s6 =	sadd.s32 $0x80, s6;
	s11 =	sshrl.u32 s11, $0x2;
	[sflag:s29] =	ssyncadd.s32 $0xFFFFE000  }
.Ltmp0:
0x3d: {  	p0 =	sgt.u32 s9, $0x2E;
	s11 =	sadd.s32 $0x3800, s11;
	(pc) =	sbr.rel @p1 .LBB2_2-.Ltmp0, $4  }
0x3e: {  	[spmem:s3] =	stream.indirect.scatter.add.f32 [tilespmem:s11], [sflag:$0x2], $0x80, s10, s20, $0xb8;
	[tilespmem:$0x1F800] =	vst v63  }
0x3f: {  	s7 =	sadd.s32 $0x80, s7;
	s9 =	sand.u32 @!p0 $0x18000, s8;
	_ =	swait.ge [sflag:s30], $0x2000  }
0x40: {  	s8 =	sadd.s32 $0x8000, s8;
	s9 =	sshrl.u32 @!p0 s9, $0x2;
	[sflag:s30] =	ssyncset.done $0x0  }
0x41: {  	s9 =	sadd.s32 @!p0 $0x3800, s9;
	s10 =	simm.s32 @!p0 $0x40;
	[sflag:s30] =	ssyncadd.s32 $0xFFFFE000  }
0x42: {  	[tilespmem:s9], [sflag:$0x1] =	stream.indirect.gather @!p0 [hbm4b:s1+s10], $0x80, s0, s10, $0xb8;
	[tilespmem:$0x1F800] =	vst v63  }
0x43: {  	_ =	swait.ge [sflag:s30], $0x2000  }
0x44: {  	[sflag:s30] =	ssyncset.done $0x0  }
0x45: {  	[sflag:s30] =	ssyncadd.s32 $0xFFFFE000  }
0x46: {  	[bflag:$0x0] =	sbarrier.arrive $0xFFFF  }
0x47: {  	s7 =	rddreg [dreg:$0x7]  }
0x48: {  	[hbm:s7], [sflag:s18] =	dma.local [spmem:s19], $0x2800  }
0x49: {  	_ =	swait.ge [sflag:s16], $0x2800  }
0x4a: {  	[sflag:s16] =	ssyncset.done $0x0  }
0x4b: {  	s8 =	rddreg [dreg:$0x8];
	[sflag:s16] =	ssyncadd.s32 $0xFFFFD800  }
0x4c: {  	[tilespmem:s4], [sflag:$0x3] =	stream.linear.gather [hbm4b:s8+s4], $0x1C00, $0x38;
	[tilespmem:$0x1F800] =	vst v63  }
0x4d: {  	_ =	swait.ge [sflag:s16], $0x1C00  }
0x4e: {  	[sflag:s16] =	ssyncset.done $0x0  }
0x4f: {  	s9 =	rddreg [dreg:$0x9];
	[sflag:s16] =	ssyncadd.s32 $0xFFFFE400  }
0x50: {  	[tilespmem:s17], [sflag:$0x3] =	stream.linear.gather [hbm4b:s9+s4], $0x1C00, $0x38;
	[tilespmem:$0x1F800] =	vst v63  }
0x51: {  	_ =	swait.ge [sflag:s16], $0x1C00  }
0x52: {  	[sflag:s16] =	ssyncset.done $0x0  }
0x53: {  	[sflag:s16] =	ssyncadd.s32 $0xFFFFE400  }
0x54: {  	[spmem:s19], [sflag:s18] =	dma.local [hbm:s5], $0x2800  }
0x55: {  	_ =	swait.ge [sflag:s16], $0x2800  }
0x56: {  	[sflag:s16] =	ssyncset.done $0x0  }
0x57: {  	[sflag:s16] =	ssyncadd.s32 $0xFFFFD800  }
0x58: {  	[bflag:$0x0] =	sbarrier.arrive $0xFFFF  }
0x59: {  	[tilespmem:s21], [sflag:$0x1] =	stream.indirect.gather [hbm4b:s1+s20], $0x80, s4, s20, $0xb8;
	[tilespmem:$0x1F800] =	vst v63  }
0x5a: {  	_ = 	snop  }
0x5b: {  	[tilespmem:s23], [sflag:$0x1] =	stream.indirect.gather [hbm4b:s1+s20], $0x80, s22, s20, $0xb8;
	[tilespmem:$0x1F800] =	vst v63  }
0x5c: {  	s10 =	simm.s32 $0x1  }
0x5d: {  	[tilespmem:s25], [sflag:$0x1] =	stream.indirect.gather [hbm4b:s1+s20], $0x80, s24, s20, $0xb8;
	[tilespmem:$0x1F800] =	vst v63  }
0x5e: {  	_ =	swait.ge [sflag:s10], $0x2000  }
0x5f: {  	[sflag:s10] =	ssyncset.done $0x0  }
0x60: {  	s2 =	simm.s32 $0x8000;
	[sflag:s10] =	ssyncadd.s32 $0xFFFFE000  }
0x61: {  	[spmem:s3] =	stream.indirect.scatter.add.f32 [tilespmem:s21], [sflag:$0x2], $0x80, s17, s20, $0xb8;
	[tilespmem:$0x1F800] =	vst v63  }
0x62: {  	s0 =	simm.s32 $0x200;
	p0 =	por $0x0, $0x0;
	s6 =	sand.u32 $0x18000, s2  }
0x63: {  	[tilespmem:s28], [sflag:$0x1] =	stream.indirect.gather [hbm4b:s1+s20], $0x80, s26, s20, $0xb8;
	[tilespmem:$0x1F800] =	vst v63  }
0x64: {  	s2 =	simm.s32 $0x2;
	s11 =	sshrl.u32 s6, $0x2;
	_ =	swait.ge [sflag:s29], $0x2000  }
0x65: {  	s6 =	simm.s32 $0x1D00;
	s7 =	simm.s32 $0x20000;
	[sflag:s29] =	ssyncset.done $0x0  }
0x66: {  	s8 =	simm.s32 $0x1C80;
	s9 =	sadd.s32 $0x3800, s11;
	[sflag:s29] =	ssyncadd.s32 $0xFFFFE000  }
0x67: {  	[spmem:s3] =	stream.indirect.scatter.add.f32 [tilespmem:s9], [sflag:$0x2], $0x80, s8, s20, $0xb8;
	[tilespmem:$0x1F800] =	vst v63  }
0x68: {  	s10 =	simm.s32 @!p0 $0x40;
	s8 =	sand.u32 @!p0 $0x18000, s7;
	_ =	swait.ge [sflag:s30], $0x2000  }
0x69: {  	s7 =	simm.s32 $0x280;
	s9 =	sshrl.u32 @!p0 s8, $0x2;
	[sflag:s30] =	ssyncset.done $0x0  }
0x6a: {  	s8 =	simm.s32 $0x28000;
	s9 =	sadd.s32 @!p0 $0x3800, s9;
	[sflag:s30] =	ssyncadd.s32 $0xFFFFE000  }
.LBB2_4:
0x6b: {  	[tilespmem:s9], [sflag:$0x1] =	stream.indirect.gather @!p0 [hbm4b:s1+s10], $0x80, s0, s10, $0xb8;
	[tilespmem:$0x1F800] =	vst v63  }
0x6c: {  	s9 =	smov.u32 s2;
	s10 =	smov.u32 s6;
	s0 =	smov.u32 s7  }
0x6d: {  	s11 =	sadd.s32 $0xFFFE8000, s8;
	s2 =	sadd.s32 $0x1, s2;
	_ =	swait.ge [sflag:s29], $0x2000  }
0x6e: {  	s11 =	sand.u32 $0x18000, s11;
	p1 =	sne.s32 s2, $0x32;
	[sflag:s29] =	ssyncset.done $0x0  }
0x6f: {  	s6 =	sadd.s32 $0x80, s6;
	s11 =	sshrl.u32 s11, $0x2;
	[sflag:s29] =	ssyncadd.s32 $0xFFFFE000  }
.Ltmp1:
0x70: {  	p0 =	sgt.u32 s9, $0x2E;
	s11 =	sadd.s32 $0x3800, s11;
	(pc) =	sbr.rel @p1 .LBB2_4-.Ltmp1, $4  }
0x71: {  	[spmem:s3] =	stream.indirect.scatter.add.f32 [tilespmem:s11], [sflag:$0x2], $0x80, s10, s20, $0xb8;
	[tilespmem:$0x1F800] =	vst v63  }
0x72: {  	s7 =	sadd.s32 $0x80, s7;
	s9 =	sand.u32 @!p0 $0x18000, s8;
	_ =	swait.ge [sflag:s30], $0x2000  }
0x73: {  	s8 =	sadd.s32 $0x8000, s8;
	s9 =	sshrl.u32 @!p0 s9, $0x2;
	[sflag:s30] =	ssyncset.done $0x0  }
0x74: {  	s9 =	sadd.s32 @!p0 $0x3800, s9;
	s10 =	simm.s32 @!p0 $0x40;
	[sflag:s30] =	ssyncadd.s32 $0xFFFFE000  }
0x75: {  	[tilespmem:s9], [sflag:$0x1] =	stream.indirect.gather @!p0 [hbm4b:s1+s10], $0x80, s0, s10, $0xb8;
	[tilespmem:$0x1F800] =	vst v63  }
0x76: {  	_ =	swait.ge [sflag:s30], $0x2000  }
0x77: {  	[sflag:s30] =	ssyncset.done $0x0  }
0x78: {  	[sflag:s30] =	ssyncadd.s32 $0xFFFFE000  }
0x79: {  	[bflag:$0x0] =	sbarrier.arrive $0xFFFF  }
0x7a: {  	s9 =	rddreg [dreg:$0xa]  }
0x7b: {  	[hbm:s9], [sflag:s18] =	dma.local [spmem:s19], $0x2800  }
0x7c: {  	_ =	swait.ge [sflag:s16], $0x2800  }
0x7d: {  	[sflag:s16] =	ssyncset.done $0x0  }
0x7e: {  	[sflag:s16] =	ssyncadd.s32 $0xFFFFD800  }
0x7f: {  	[tilespmem:s4], [sflag:$0x3] =	stream.linear.gather [hbm4b:s12+s4], $0x1C00, $0x38;
	[tilespmem:$0x1F800] =	vst v63  }
0x80: {  	_ =	swait.ge [sflag:s16], $0x1C00  }
0x81: {  	[sflag:s16] =	ssyncset.done $0x0  }
0x82: {  	[sflag:s16] =	ssyncadd.s32 $0xFFFFE400  }
0x83: {  	[tilespmem:s17], [sflag:$0x3] =	stream.linear.gather [hbm4b:s13+s4], $0x1C00, $0x38;
	[tilespmem:$0x1F800] =	vst v63  }
0x84: {  	_ =	swait.ge [sflag:s16], $0x1C00  }
0x85: {  	[sflag:s16] =	ssyncset.done $0x0  }
0x86: {  	[sflag:s16] =	ssyncadd.s32 $0xFFFFE400  }
0x87: {  	[spmem:s19], [sflag:s18] =	dma.local [hbm:s5], $0x2800  }
0x88: {  	_ =	swait.ge [sflag:s16], $0x2800  }
0x89: {  	[sflag:s16] =	ssyncset.done $0x0  }
0x8a: {  	[sflag:s16] =	ssyncadd.s32 $0xFFFFD800  }
0x8b: {  	[bflag:$0x0] =	sbarrier.arrive $0xFFFF  }
0x8c: {  	[tilespmem:s21], [sflag:$0x1] =	stream.indirect.gather [hbm4b:s1+s20], $0x80, s4, s20, $0xb8;
	[tilespmem:$0x1F800] =	vst v63  }
0x8d: {  	_ = 	snop  }
0x8e: {  	[tilespmem:s23], [sflag:$0x1] =	stream.indirect.gather [hbm4b:s1+s20], $0x80, s22, s20, $0xb8;
	[tilespmem:$0x1F800] =	vst v63  }
0x8f: {  	s10 =	simm.s32 $0x1  }
0x90: {  	[tilespmem:s25], [sflag:$0x1] =	stream.indirect.gather [hbm4b:s1+s20], $0x80, s24, s20, $0xb8;
	[tilespmem:$0x1F800] =	vst v63  }
0x91: {  	_ =	swait.ge [sflag:s10], $0x2000  }
0x92: {  	[sflag:s10] =	ssyncset.done $0x0  }
0x93: {  	s7 =	simm.s32 $0x20000;
	[sflag:s10] =	ssyncadd.s32 $0xFFFFE000  }
0x94: {  	[spmem:s3] =	stream.indirect.scatter.add.f32 [tilespmem:s21], [sflag:$0x2], $0x80, s17, s20, $0xb8;
	[tilespmem:$0x1F800] =	vst v63  }
0x95: {  	s0 =	simm.s32 $0x200;
	s2 =	simm.s32 $0x8000;
	s8 =	simm.s32 $0x1C80  }
0x96: {  	[tilespmem:s28], [sflag:$0x1] =	stream.indirect.gather [hbm4b:s1+s20], $0x80, s26, s20, $0xb8;
	[tilespmem:$0x1F800] =	vst v63  }
0x97: {  	p0 =	por $0x0, $0x0;
	s6 =	sand.u32 $0x18000, s2;
	_ =	swait.ge [sflag:s29], $0x2000  }
0x98: {  	s2 =	simm.s32 $0x2;
	s11 =	sshrl.u32 s6, $0x2;
	[sflag:s29] =	ssyncset.done $0x0  }
0x99: {  	s6 =	simm.s32 $0x1D00;
	s9 =	sadd.s32 $0x3800, s11;
	[sflag:s29] =	ssyncadd.s32 $0xFFFFE000  }
0x9a: {  	[spmem:s3] =	stream.indirect.scatter.add.f32 [tilespmem:s9], [sflag:$0x2], $0x80, s8, s20, $0xb8;
	[tilespmem:$0x1F800] =	vst v63  }
0x9b: {  	s10 =	simm.s32 @!p0 $0x40;
	s8 =	sand.u32 @!p0 $0x18000, s7;
	_ =	swait.ge [sflag:s30], $0x2000  }
0x9c: {  	s7 =	simm.s32 $0x280;
	s9 =	sshrl.u32 @!p0 s8, $0x2;
	[sflag:s30] =	ssyncset.done $0x0  }
0x9d: {  	s8 =	simm.s32 $0x28000;
	s9 =	sadd.s32 @!p0 $0x3800, s9;
	[sflag:s30] =	ssyncadd.s32 $0xFFFFE000  }
.LBB2_6:
0x9e: {  	[tilespmem:s9], [sflag:$0x1] =	stream.indirect.gather @!p0 [hbm4b:s1+s10], $0x80, s0, s10, $0xb8;
	[tilespmem:$0x1F800] =	vst v63  }
0x9f: {  	s9 =	smov.u32 s2;
	s10 =	smov.u32 s6;
	s0 =	smov.u32 s7  }
0xa0: {  	s11 =	sadd.s32 $0xFFFE8000, s8;
	s2 =	sadd.s32 $0x1, s2;
	_ =	swait.ge [sflag:s29], $0x2000  }
0xa1: {  	s11 =	sand.u32 $0x18000, s11;
	p1 =	sne.s32 s2, $0x32;
	[sflag:s29] =	ssyncset.done $0x0  }
0xa2: {  	s6 =	sadd.s32 $0x80, s6;
	s11 =	sshrl.u32 s11, $0x2;
	[sflag:s29] =	ssyncadd.s32 $0xFFFFE000  }
.Ltmp2:
0xa3: {  	p0 =	sgt.u32 s9, $0x2E;
	s11 =	sadd.s32 $0x3800, s11;
	(pc) =	sbr.rel @p1 .LBB2_6-.Ltmp2, $4  }
0xa4: {  	[spmem:s3] =	stream.indirect.scatter.add.f32 [tilespmem:s11], [sflag:$0x2], $0x80, s10, s20, $0xb8;
	[tilespmem:$0x1F800] =	vst v63  }
0xa5: {  	s7 =	sadd.s32 $0x80, s7;
	s9 =	sand.u32 @!p0 $0x18000, s8;
	_ =	swait.ge [sflag:s30], $0x2000  }
0xa6: {  	s8 =	sadd.s32 $0x8000, s8;
	s9 =	sshrl.u32 @!p0 s9, $0x2;
	[sflag:s30] =	ssyncset.done $0x0  }
0xa7: {  	s9 =	sadd.s32 @!p0 $0x3800, s9;
	s10 =	simm.s32 @!p0 $0x40;
	[sflag:s30] =	ssyncadd.s32 $0xFFFFE000  }
0xa8: {  	[tilespmem:s9], [sflag:$0x1] =	stream.indirect.gather @!p0 [hbm4b:s1+s10], $0x80, s0, s10, $0xb8;
	[tilespmem:$0x1F800] =	vst v63  }
0xa9: {  	_ =	swait.ge [sflag:s30], $0x2000  }
0xaa: {  	s31 =	sadd.s32 $0x1, s31;
	[sflag:s30] =	ssyncset.done $0x0  }
0xab: {  	p0 =	sne.s32 s31, s15;
	[sflag:s30] =	ssyncadd.s32 $0xFFFFE000  }
.Ltmp3:
0xac: {  	[bflag:$0x0] =	sbarrier.arrive $0xFFFF;
	(pc) =	sbr.rel @p0 .LBB2_1-.Ltmp3, $4  }
0xad: {  	[hbm:s14], [sflag:s18] =	dma.local [spmem:s19], $0x2800  }
0xae: {  	_ =	swait.ge [sflag:s16], $0x2800  }
0xaf: {  	[sflag:s16] =	ssyncset.done $0x0  }
0xb0: {  	[sflag:s16] =	ssyncadd.s32 $0xFFFFD800  }
0xb1: {  	_ =	sfence.sel $0x180000  }
0xb2: {  	[bflag:$0x0] =	sbarrier.arrive $0xFFFF  }
0xb3: {  	_ =	strace $0x90000047  }
0xb4: {  	s0 =	stileid.u32;
	[bflag:$0x2] =	sbarrier.arrive $0xFFFF  }
0xb5: {  	p0 =	sne.s32 s0, $0x0;
	s0 =	rddreg [dreg:$0x4]  }
0xb6: {  	s0 =	sadd.s32 @!p0 $0x100000, s0  }
0xb7: {  	[sflag:s0] =	ssyncadd.tile.s32 @!p0 $0x1;
	_ =	shalt  }
.Lfunc_end2:
_tile_overlayer_lowered:
.L_overlay_start_2:
0xb8: {  	(tag) =	ssettag $0x2  }
0xb9: {  	s0 =	rddreg [dreg:$0x0];
	s2 =	stileid.u32  }
0xba: {  	s1 =	rddreg [dreg:$0x1];
	p0 =	sne.s32 s2, $0x0  }
0xbb: {  	s3 =	rddreg [dreg:$0x2];
	[bflag:$0x3] =	sbarrier.arrive $0xFFFF;
	s2 =	simm.s32 @!p0 $0x1C03  }
0xbc: {  	[timem:s3], [sflag:s2] =	dma.local @!p0 [hbm:s0], s1  }
0xbd: {  	s0 =	simm.s32 @!p0 $0x3  }
0xbe: {  	_ =	swait.ge @!p0 [sflag:s0], s1  }
0xbf: {  	s1 =	ssub.s32 @!p0 $0x0, s1;
	[sflag:s0] =	ssyncset.done @!p0 $0x0  }
0xc0: {  	[sflag:s0] =	ssyncadd.s32 @!p0 s1  }
0xc1: {  	[bflag:$0x3] =	sbarrier.arrive $0xFFFF  }
0xc2: {  	_ =	shalt  }

</sc_bundles>
